<compile_context>
chip_gen: v7x
topology: tpu7x:2x2x1
jax: 0.10.2.dev20260603
libtpu: 0.0.44.dev20260713+nightly
codegen_flags: <defaults>
</compile_context>

<pallas_src>
import functools

import jax
import jax.numpy as jnp
from jax import lax
from jax.experimental import pallas as pl
from jax.experimental.pallas import tpu as pltpu
from jax.experimental.pallas import tpu_sc as plsc

B, LT, LI = 64, 512, 100
VOCAB, MAXPOS, NTYPES, HIDDEN, IMG_DIM = 30522, 512, 2, 768, 2048
EPS = 1e-12

_NC, _NS = 2, 16
_NW = _NC * _NS
_HTOK = B * LT // 2
_PER_W = _HTOK // _NW
_CH = 64
_NCH = _PER_W // _CH


def _sc_word_gather(table, idx):
    mesh = plsc.VectorSubcoreMesh(core_axis_name="c", subcore_axis_name="s")

    @functools.partial(
        pl.kernel, mesh=mesh,
        out_type=jax.ShapeDtypeStruct((_HTOK, HIDDEN), jnp.float32),
        scratch_types=[
            pltpu.VMEM((_PER_W,), jnp.int32),
            pltpu.VMEM((2, _CH, HIDDEN), jnp.float32),
            pltpu.SemaphoreType.DMA((2,)),
            pltpu.SemaphoreType.DMA((2,)),
        ],
    )
    def k(table_hbm, idx_hbm, out_hbm, idx_v, rows_v, gsem, wsem):
        wid = lax.axis_index("s") * _NC + lax.axis_index("c")
        base = wid * _PER_W
        pltpu.sync_copy(idx_hbm.at[pl.ds(base, _PER_W)], idx_v)

        def g_args(c, b):
            return (table_hbm.at[idx_v.at[pl.ds(c * _CH, _CH)]],
                    rows_v.at[b], gsem.at[b])

        def w_args(c, b):
            return (rows_v.at[b], out_hbm.at[pl.ds(base + c * _CH, _CH)],
                    wsem.at[b])

        pltpu.async_copy(*g_args(0, 0))
        pltpu.async_copy(*g_args(1, 1))

        def body(j, carry):
            for b in range(2):
                c = 2 * j + b
                pltpu.make_async_copy(*g_args(c, b)).wait()
                pltpu.async_copy(*w_args(c, b))

            @pl.when(j < _NCH // 2 - 1)
            def _():
                for b in range(2):
                    c = 2 * j + b
                    pltpu.make_async_copy(*w_args(c, b)).wait()
                    pltpu.async_copy(*g_args(c + 2, b))

            return carry

        lax.fori_loop(0, _NCH // 2, body, 0)
        for b in range(2):
            pltpu.make_async_copy(*w_args(_NCH - 2 + b, b)).wait()

    return k(table, idx)


def _ln(x, g, b):
    mu = jnp.mean(x, axis=-1, keepdims=True)
    var = jnp.mean((x - mu) ** 2, axis=-1, keepdims=True)
    return (x - mu) * lax.rsqrt(var + EPS) * g + b


_TABN = 520


def _pos_type_lookup(ids_row, seg_row, tab):
    n = ids_row.shape[1]
    iota = lax.broadcasted_iota(jnp.int32, (_TABN, n), 0)
    ohc = ((iota == ids_row) | (iota == seg_row + MAXPOS)
           ).astype(jnp.bfloat16)
    return lax.dot_general(ohc, tab, (((0,), (0,)), ((), ())),
                           preferred_element_type=jnp.float32)


_SBLK = 16
_NIMG = -(-LI // _SBLK)
_IPAD = _NIMG * _SBLK * B
_TBLK = 32
_NTXT = LT // _TBLK
_NTXTH = _NTXT // 2


def _tc_img_body(feat_ref, ipos_ref, iseg_ref, tab_ref, w_ref,
                 prm_ref, out_ref):
    img_b = prm_ref[2, :]
    imgln_g = prm_ref[3, :]
    imgln_b = prm_ref[4, :]
    imgln2_g = prm_ref[5, :]
    imgln2_b = prm_ref[6, :]

    i = pl.program_id(0)
    feat = feat_ref[...].reshape(_SBLK * B, IMG_DIM)
    img = jnp.dot(feat, w_ref[...],
                  preferred_element_type=jnp.float32) + img_b
    img = _ln(img, imgln_g, imgln_b)
    pt = _pos_type_lookup(ipos_ref[pl.ds(i, 1), :], iseg_ref[pl.ds(i, 1), :],
                          tab_ref[...])
    out_ref[...] = _ln(img + pt, imgln2_g,
                       imgln2_b).reshape(_SBLK, B, HIDDEN)


def _make_txt_body(off):
    def _tc_txt_body(acc_ref, words_ref, tpos_ref, tseg_ref, tab_ref,
                     prm_ref, out_ref):
        del acc_ref
        j = pl.program_id(0)
        ln_g = prm_ref[0, :]
        ln_b = prm_ref[1, :]
        pt = _pos_type_lookup(tpos_ref[pl.ds(j + off, 1), :],
                              tseg_ref[pl.ds(j + off, 1), :], tab_ref[...])
        x = words_ref[...] + pt.reshape(_TBLK, B, HIDDEN)
        out_ref[...] = _ln(x, ln_g, ln_b)
    return _tc_txt_body


def _tc_txt_call(acc, words_h, tpos, tseg, tab, prm, off):
    return pl.pallas_call(
        _make_txt_body(off),
        grid=(_NTXTH,),
        in_specs=[
            pl.BlockSpec(memory_space=pltpu.MemorySpace.HBM),
            pl.BlockSpec((_TBLK, B, HIDDEN), lambda j: (j, 0, 0)),
            pl.BlockSpec((_NTXT, _TBLK * B), lambda j: (0, 0)),
            pl.BlockSpec((_NTXT, _TBLK * B), lambda j: (0, 0)),
            pl.BlockSpec((_TABN, HIDDEN), lambda j: (0, 0)),
            pl.BlockSpec((8, HIDDEN), lambda j: (0, 0)),
        ],
        out_specs=pl.BlockSpec((_TBLK, B, HIDDEN),
                               lambda j, o=off: (j + o, 0, 0)),
        out_shape=jax.ShapeDtypeStruct((LT + LI, B, HIDDEN), jnp.float32),
        input_output_aliases={0: 0},
        compiler_params=pltpu.CompilerParams(
            dimension_semantics=("arbitrary",)),
    )(acc, words_h, tpos, tseg, tab, prm)


def kernel(text_input_ids, text_position_ids, text_segment_ids, image_feat,
           image_position_ids, image_segment_ids, word_emb, pos_emb, type_emb,
           ln_g, ln_b, img_W, img_b, imgln_g, imgln_b, imgln2_g, imgln2_b):
    wid_t = text_input_ids.astype(jnp.int32).T.reshape(-1)
    tpos = text_position_ids.astype(jnp.int32).T.reshape(_NTXT, _TBLK * B)
    tseg = text_segment_ids.astype(jnp.int32).T.reshape(_NTXT, _TBLK * B)
    ipos = jnp.pad(image_position_ids.astype(jnp.int32).T.reshape(-1),
                   (0, _IPAD - LI * B)).reshape(_NIMG, _SBLK * B)
    iseg = jnp.pad(image_segment_ids.astype(jnp.int32).T.reshape(-1),
                   (0, _IPAD - LI * B)).reshape(_NIMG, _SBLK * B)
    feat_t = jnp.transpose(image_feat, (1, 0, 2))

    words1 = _sc_word_gather(word_emb, wid_t[:_HTOK]).reshape(
        LT // 2, B, HIDDEN)
    words2 = _sc_word_gather(word_emb, wid_t[_HTOK:]).reshape(
        LT // 2, B, HIDDEN)

    tab = jnp.concatenate(
        [pos_emb, type_emb,
         jnp.zeros((_TABN - MAXPOS - NTYPES, HIDDEN), jnp.float32)],
        axis=0).astype(jnp.bfloat16)
    prm = jnp.stack(
        [ln_g, ln_b, img_b, imgln_g, imgln_b, imgln2_g, imgln2_b,
         jnp.zeros((HIDDEN,), jnp.float32)], axis=0)

    acc = pl.pallas_call(
        _tc_img_body,
        grid=(_NIMG,),
        in_specs=[
            pl.BlockSpec((_SBLK, B, IMG_DIM), lambda i: (i, 0, 0)),
            pl.BlockSpec((_NIMG, _SBLK * B), lambda i: (0, 0)),
            pl.BlockSpec((_NIMG, _SBLK * B), lambda i: (0, 0)),
            pl.BlockSpec((_TABN, HIDDEN), lambda i: (0, 0)),
            pl.BlockSpec((IMG_DIM, HIDDEN), lambda i: (0, 0)),
            pl.BlockSpec((8, HIDDEN), lambda i: (0, 0)),
        ],
        out_specs=pl.BlockSpec((_SBLK, B, HIDDEN),
                               lambda i: (i + LT // _SBLK, 0, 0)),
        out_shape=jax.ShapeDtypeStruct((LT + LI, B, HIDDEN), jnp.float32),
        compiler_params=pltpu.CompilerParams(
            dimension_semantics=("arbitrary",)),
    )(feat_t, ipos, iseg, tab, img_W, prm)

    acc = _tc_txt_call(acc, words1, tpos, tseg, tab, prm, 0)
    acc = _tc_txt_call(acc, words2, tpos, tseg, tab, prm, _NTXTH)

    return jnp.transpose(acc, (1, 0, 2))

# --- scband reference (transcript-rebuilt; emitter-appended) ---
"""Pipeline reference for scband-mmftransformer-embeddings-37993280700881 (READ-ONLY COPY).

The authoritative reference and input builder live on the scoring server;
editing this copy changes nothing except your own understanding.
"""

import jax, jax.numpy as jnp
import numpy as np

B, LT, LI = 64, 512, 100
VOCAB, MAXPOS, NTYPES, HIDDEN, IMG_DIM = 30522, 512, 2, 768, 2048
EPS = 1e-12


def _layer_norm(x, g, b):
    mu = jnp.mean(x, axis=-1, keepdims=True)
    var = jnp.mean((x - mu) ** 2, axis=-1, keepdims=True)
    return (x - mu) / jnp.sqrt(var + EPS) * g + b


def setup_inputs(seed: int = 0) -> dict:
    key = jax.random.key(seed)
    ks = [jax.random.fold_in(key, i) for i in range(16)]
    inp = {}
    inp["text_input_ids"] = jax.random.randint(ks[0], (B, LT), 0, VOCAB, dtype=jnp.int64 if jax.config.jax_enable_x64 else jnp.int32)
    inp["text_position_ids"] = jax.random.randint(ks[1], (B, LT), 0, MAXPOS)
    inp["text_segment_ids"] = jax.random.randint(ks[2], (B, LT), 0, NTYPES)
    inp["image_feat"] = jax.random.normal(ks[3], (B, LI, IMG_DIM), dtype=jnp.float32)
    inp["image_position_ids"] = jax.random.randint(ks[4], (B, LI), 0, MAXPOS)
    inp["image_segment_ids"] = jax.random.randint(ks[5], (B, LI), 0, NTYPES)
    # learned parameters
    inp["word_emb"] = jax.random.normal(ks[6], (VOCAB, HIDDEN), dtype=jnp.float32) * 0.02
    inp["pos_emb"] = jax.random.normal(ks[7], (MAXPOS, HIDDEN), dtype=jnp.float32) * 0.02
    inp["type_emb"] = jax.random.normal(ks[8], (NTYPES, HIDDEN), dtype=jnp.float32) * 0.02
    inp["ln_g"] = jnp.ones((HIDDEN,), jnp.float32)
    inp["ln_b"] = jnp.zeros((HIDDEN,), jnp.float32)
    inp["img_W"] = jax.random.normal(ks[9], (IMG_DIM, HIDDEN), dtype=jnp.float32) * 0.02
    inp["img_b"] = jnp.zeros((HIDDEN,), jnp.float32)
    inp["imgln_g"] = jnp.ones((HIDDEN,), jnp.float32)
    inp["imgln_b"] = jnp.zeros((HIDDEN,), jnp.float32)
    inp["imgln2_g"] = jnp.ones((HIDDEN,), jnp.float32)
    inp["imgln2_b"] = jnp.zeros((HIDDEN,), jnp.float32)
    return inp


def reference(text_input_ids, text_position_ids, text_segment_ids, image_feat,
              image_position_ids, image_segment_ids, word_emb, pos_emb, type_emb,
              ln_g, ln_b, img_W, img_b, imgln_g, imgln_b, imgln2_g, imgln2_b):
    # text branch: word + position + token-type embeddings -> LayerNorm (dropout is identity in eval)
    words = jnp.take(word_emb, text_input_ids, axis=0)
    pos = jnp.take(pos_emb, text_position_ids, axis=0)
    seg = jnp.take(type_emb, text_segment_ids, axis=0)
    txt = _layer_norm(words + pos + seg, ln_g, ln_b)
    # image branch: Linear(img_dim->hidden) + LayerNorm, plus position (shared table) and token-type embeds
    img = jnp.einsum('bld,dh->blh', image_feat, img_W) + img_b
    img = _layer_norm(img, imgln_g, imgln_b)
    img = img + jnp.take(pos_emb, image_position_ids, axis=0)
    img = img + jnp.take(type_emb, image_segment_ids, axis=0)
    img = _layer_norm(img, imgln2_g, imgln2_b)
    return jnp.concatenate([txt, img], axis=1)

if __name__ == "__main__":
    import jax
    _d = setup_inputs()
    print(jax.jit(kernel)(*tuple(_d.values())))

</pallas_src>

<mosaic_0001>
#map = affine_map<(d0, d1) -> (0, 0)>
#map1 = affine_map<(d0, d1) -> (0)>
module attributes {stable_mosaic.version = 14 : i64} {
  func.func @k(%arg0: i32, %arg1: i32, %arg2: memref<30522x768xf32, #tpu.memory_space<hbm>>, %arg3: memref<16384xi32, #tpu.memory_space<hbm>>, %arg4: memref<16384x768xf32, #tpu.memory_space<hbm>>, %arg5: memref<512xi32, #tpu.memory_space<vmem>>, %arg6: memref<2x64x768xf32, #tpu.memory_space<vmem>>, %arg7: memref<2x!tpu.dma_semaphore, #tpu.memory_space<semaphore_mem>>, %arg8: memref<2x!tpu.dma_semaphore, #tpu.memory_space<semaphore_mem>>) attributes {dimension_semantics = [#tpu.dimension_semantics<core_parallel>, #tpu.dimension_semantics<subcore_parallel>], iteration_bounds = array<i64: 2, 16>, scalar_prefetch = 0 : i64, scratch_operands = 4 : i64, tpu.core_type = #tpu.core_type<sc_vector_subcore>, window_params = [{transform_indices = #map}, {transform_indices = #map1}, {transform_indices = #map}]} {
    %mul3A = arith.constant 2 : i32
    %mul3A_0 = arith.muli %arg1, %mul3A : i32
    %add3A = arith.addi %mul3A_0, %arg0 : i32
    %mul3A_1 = arith.constant 512 : i32
    %mul3A_2 = arith.muli %add3A, %mul3A_1 : i32
    "tpu.region"() ({
      %run_scoped3A = tpu.sem_alloc : memref<!tpu.dma_semaphore, #tpu.memory_space<semaphore_mem>>
      %dma_start3A_68 = tpu.memref_slice %arg3[%mul3A_2] : memref<16384xi32, #tpu.memory_space<hbm>> -> memref<512xi32, #tpu.memory_space<hbm>>
      %dma_start3A_69 = tpu.memref_slice %arg3[%mul3A_2] : memref<16384xi32, #tpu.memory_space<hbm>> -> memref<512xi32, #tpu.memory_space<hbm>>
      tpu.enqueue_dma source(%dma_start3A_69 : memref<512xi32, #tpu.memory_space<hbm>>) target(%arg5 : memref<512xi32, #tpu.memory_space<vmem>>) target_semaphore(%run_scoped3A : memref<!tpu.dma_semaphore, #tpu.memory_space<semaphore_mem>>)
      %dma_wait3A_70 = tpu.memref_slice %arg3[%mul3A_2] : memref<16384xi32, #tpu.memory_space<hbm>> -> memref<512xi32, #tpu.memory_space<hbm>>
      %dma_wait3A_71 = tpu.memref_slice %arg3[%mul3A_2] : memref<16384xi32, #tpu.memory_space<hbm>> -> memref<512xi32, #tpu.memory_space<hbm>>
      tpu.wait_dma2 semaphore(%run_scoped3A : memref<!tpu.dma_semaphore, #tpu.memory_space<semaphore_mem>>) src(%dma_wait3A_71 : memref<512xi32, #tpu.memory_space<hbm>>) dst(%arg5 : memref<512xi32, #tpu.memory_space<vmem>>)
      tpu.yield
    }) : () -> ()
    %dma_start3A = arith.constant 0 : i32
    %dma_start3A_3 = arith.constant 0 : i32
    %dma_start3A_4 = arith.constant 0 : i32
    %dma_start3A_5 = arith.constant 0 : i32
    %dma_start3A_6 = tpu.memref_slice %arg6[%dma_start3A, %dma_start3A_4, %dma_start3A_5] : memref<2x64x768xf32, #tpu.memory_space<vmem>> -> memref<1x64x768xf32, #tpu.memory_space<vmem>>
    %dma_start3A_7 = tpu.memref_squeeze %dma_start3A_6 : memref<1x64x768xf32, #tpu.memory_space<vmem>> -> memref<64x768xf32, #tpu.memory_space<vmem>>
    %dma_start3A_8 = arith.constant 0 : i32
    %dma_start3A_9 = tpu.memref_slice %arg5[%dma_start3A_8] : memref<512xi32, #tpu.memory_space<vmem>> -> memref<64xi32, #tpu.memory_space<vmem>>
    %dma_start3A_10 = arith.constant 0 : i32
    %dma_start3A_11 = arith.constant 0 : i32
    %dma_start3A_12 = tpu.memref_slice %arg2[%dma_start3A_10, %dma_start3A_11] : memref<30522x768xf32, #tpu.memory_space<hbm>> -> memref<30522x768xf32, #tpu.memory_space<hbm>>
    %dma_start3A_13 = tpu.memref_slice %arg7[%dma_start3A_3] : memref<2x!tpu.dma_semaphore, #tpu.memory_space<semaphore_mem>> -> memref<1x!tpu.dma_semaphore, #tpu.memory_space<semaphore_mem>>
    %dma_start3A_14 = tpu.memref_squeeze %dma_start3A_13 : memref<1x!tpu.dma_semaphore, #tpu.memory_space<semaphore_mem>> -> memref<!tpu.dma_semaphore, #tpu.memory_space<semaphore_mem>>
    tpu.enqueue_indirect_dma source(%dma_start3A_12 : memref<30522x768xf32, #tpu.memory_space<hbm>>) target(%dma_start3A_7 : memref<64x768xf32, #tpu.memory_space<vmem>>) offsets(%dma_start3A_9 : memref<64xi32, #tpu.memory_space<vmem>>) semaphore(%dma_start3A_14 : memref<!tpu.dma_semaphore, #tpu.memory_space<semaphore_mem>>)
    %dma_start3A_15 = arith.constant 1 : i32
    %dma_start3A_16 = arith.constant 1 : i32
    %dma_start3A_17 = arith.constant 0 : i32
    %dma_start3A_18 = arith.constant 0 : i32
    %dma_start3A_19 = tpu.memref_slice %arg6[%dma_start3A_15, %dma_start3A_17, %dma_start3A_18] : memref<2x64x768xf32, #tpu.memory_space<vmem>> -> memref<1x64x768xf32, #tpu.memory_space<vmem>>
    %dma_start3A_20 = tpu.memref_squeeze %dma_start3A_19 : memref<1x64x768xf32, #tpu.memory_space<vmem>> -> memref<64x768xf32, #tpu.memory_space<vmem>>
    %dma_start3A_21 = arith.constant 64 : i32
    %dma_start3A_22 = tpu.memref_slice %arg5[%dma_start3A_21] : memref<512xi32, #tpu.memory_space<vmem>> -> memref<64xi32, #tpu.memory_space<vmem>>
    %dma_start3A_23 = arith.constant 0 : i32
    %dma_start3A_24 = arith.constant 0 : i32
    %dma_start3A_25 = tpu.memref_slice %arg2[%dma_start3A_23, %dma_start3A_24] : memref<30522x768xf32, #tpu.memory_space<hbm>> -> memref<30522x768xf32, #tpu.memory_space<hbm>>
    %dma_start3A_26 = tpu.memref_slice %arg7[%dma_start3A_16] : memref<2x!tpu.dma_semaphore, #tpu.memory_space<semaphore_mem>> -> memref<1x!tpu.dma_semaphore, #tpu.memory_space<semaphore_mem>>
    %dma_start3A_27 = tpu.memref_squeeze %dma_start3A_26 : memref<1x!tpu.dma_semaphore, #tpu.memory_space<semaphore_mem>> -> memref<!tpu.dma_semaphore, #tpu.memory_space<semaphore_mem>>
    tpu.enqueue_indirect_dma source(%dma_start3A_25 : memref<30522x768xf32, #tpu.memory_space<hbm>>) target(%dma_start3A_20 : memref<64x768xf32, #tpu.memory_space<vmem>>) offsets(%dma_start3A_22 : memref<64xi32, #tpu.memory_space<vmem>>) semaphore(%dma_start3A_27 : memref<!tpu.dma_semaphore, #tpu.memory_space<semaphore_mem>>)
    %scan3A = arith.constant 0 : i32
    %scan3A_28 = arith.constant 0 : i32
    %scan3A_29 = arith.constant 4 : i32
    %scan3A_30 = arith.addi %scan3A_28, %scan3A_29 : i32
    %scan3A_31 = arith.constant 1 : i32
    scf.for %scan3A_68 = %scan3A_28 to %scan3A_30 step %scan3A_31  : i32 {
      %mul3A_69 = arith.constant 2 : i32
      %mul3A_70 = arith.muli %mul3A_69, %scan3A_68 : i32
      %add3A_71 = arith.constant 0 : i32
      %add3A_72 = arith.addi %mul3A_70, %add3A_71 : i32
      %mul3A_73 = arith.constant 64 : i32
      %mul3A_74 = arith.muli %add3A_72, %mul3A_73 : i32
      %dma_wait3A_75 = arith.constant 0 : i32
      %dma_wait3A_76 = arith.constant 0 : i32
      %dma_wait3A_77 = arith.constant 0 : i32
      %dma_wait3A_78 = arith.constant 0 : i32
      %dma_wait3A_79 = tpu.memref_slice %arg6[%dma_wait3A_75, %dma_wait3A_77, %dma_wait3A_78] : memref<2x64x768xf32, #tpu.memory_space<vmem>> -> memref<1x64x768xf32, #tpu.memory_space<vmem>>
      %dma_wait3A_80 = tpu.memref_squeeze %dma_wait3A_79 : memref<1x64x768xf32, #tpu.memory_space<vmem>> -> memref<64x768xf32, #tpu.memory_space<vmem>>
      %dma_wait3A_81 = tpu.memref_slice %arg5[%mul3A_74] : memref<512xi32, #tpu.memory_space<vmem>> -> memref<64xi32, #tpu.memory_space<vmem>>
      %dma_wait3A_82 = arith.constant 0 : i32
      %dma_wait3A_83 = arith.constant 0 : i32
      %dma_wait3A_84 = tpu.memref_slice %arg2[%dma_wait3A_82, %dma_wait3A_83] : memref<30522x768xf32, #tpu.memory_space<hbm>> -> memref<30522x768xf32, #tpu.memory_space<hbm>>
      %dma_wait3A_85 = tpu.memref_slice %arg7[%dma_wait3A_76] : memref<2x!tpu.dma_semaphore, #tpu.memory_space<semaphore_mem>> -> memref<1x!tpu.dma_semaphore, #tpu.memory_space<semaphore_mem>>
      %dma_wait3A_86 = tpu.memref_squeeze %dma_wait3A_85 : memref<1x!tpu.dma_semaphore, #tpu.memory_space<semaphore_mem>> -> memref<!tpu.dma_semaphore, #tpu.memory_space<semaphore_mem>>
      tpu.wait_indirect_dma semaphore(%dma_wait3A_86 : memref<!tpu.dma_semaphore, #tpu.memory_space<semaphore_mem>>) src(%dma_wait3A_84 : memref<30522x768xf32, #tpu.memory_space<hbm>>) dst(%dma_wait3A_80 : memref<64x768xf32, #tpu.memory_space<vmem>>)
      %mul3A_87 = arith.constant 64 : i32
      %mul3A_88 = arith.muli %add3A_72, %mul3A_87 : i32
      %add3A_89 = arith.addi %mul3A_2, %mul3A_88 : i32
      %dma_start3A_90 = arith.constant 0 : i32
      %dma_start3A_91 = arith.constant 0 : i32
      %dma_start3A_92 = arith.constant 0 : i32
      %dma_start3A_93 = arith.constant 0 : i32
      %dma_start3A_94 = tpu.memref_slice %arg6[%dma_start3A_90, %dma_start3A_92, %dma_start3A_93] : memref<2x64x768xf32, #tpu.memory_space<vmem>> -> memref<1x64x768xf32, #tpu.memory_space<vmem>>
      %dma_start3A_95 = tpu.memref_squeeze %dma_start3A_94 : memref<1x64x768xf32, #tpu.memory_space<vmem>> -> memref<64x768xf32, #tpu.memory_space<vmem>>
      %dma_start3A_96 = arith.constant 0 : i32
      %dma_start3A_97 = tpu.memref_slice %arg4[%add3A_89, %dma_start3A_96] : memref<16384x768xf32, #tpu.memory_space<hbm>> -> memref<64x768xf32, #tpu.memory_space<hbm>>
      %dma_start3A_98 = tpu.memref_slice %arg8[%dma_start3A_91] : memref<2x!tpu.dma_semaphore, #tpu.memory_space<semaphore_mem>> -> memref<1x!tpu.dma_semaphore, #tpu.memory_space<semaphore_mem>>
      %dma_start3A_99 = tpu.memref_squeeze %dma_start3A_98 : memref<1x!tpu.dma_semaphore, #tpu.memory_space<semaphore_mem>> -> memref<!tpu.dma_semaphore, #tpu.memory_space<semaphore_mem>>
      %dma_start3A_100 = arith.constant 0 : i32
      %dma_start3A_101 = tpu.memref_slice %arg4[%add3A_89, %dma_start3A_100] : memref<16384x768xf32, #tpu.memory_space<hbm>> -> memref<64x768xf32, #tpu.memory_space<hbm>>
      %dma_start3A_102 = arith.constant 0 : i32
      %dma_start3A_103 = arith.constant 0 : i32
      %dma_start3A_104 = tpu.memref_slice %arg6[%dma_start3A_90, %dma_start3A_102, %dma_start3A_103] : memref<2x64x768xf32, #tpu.memory_space<vmem>> -> memref<1x64x768xf32, #tpu.memory_space<vmem>>
      %dma_start3A_105 = tpu.memref_squeeze %dma_start3A_104 : memref<1x64x768xf32, #tpu.memory_space<vmem>> -> memref<64x768xf32, #tpu.memory_space<vmem>>
      tpu.enqueue_dma source(%dma_start3A_105 : memref<64x768xf32, #tpu.memory_space<vmem>>) target(%dma_start3A_101 : memref<64x768xf32, #tpu.memory_space<hbm>>) target_semaphore(%dma_start3A_99 : memref<!tpu.dma_semaphore, #tpu.memory_space<semaphore_mem>>)
      %mul3A_106 = arith.constant 2 : i32
      %mul3A_107 = arith.muli %mul3A_106, %scan3A_68 : i32
      %add3A_108 = arith.constant 1 : i32
      %add3A_109 = arith.addi %mul3A_107, %add3A_108 : i32
      %mul3A_110 = arith.constant 64 : i32
      %mul3A_111 = arith.muli %add3A_109, %mul3A_110 : i32
      %dma_wait3A_112 = arith.constant 1 : i32
      %dma_wait3A_113 = arith.constant 1 : i32
      %dma_wait3A_114 = arith.constant 0 : i32
      %dma_wait3A_115 = arith.constant 0 : i32
      %dma_wait3A_116 = tpu.memref_slice %arg6[%dma_wait3A_112, %dma_wait3A_114, %dma_wait3A_115] : memref<2x64x768xf32, #tpu.memory_space<vmem>> -> memref<1x64x768xf32, #tpu.memory_space<vmem>>
      %dma_wait3A_117 = tpu.memref_squeeze %dma_wait3A_116 : memref<1x64x768xf32, #tpu.memory_space<vmem>> -> memref<64x768xf32, #tpu.memory_space<vmem>>
      %dma_wait3A_118 = tpu.memref_slice %arg5[%mul3A_111] : memref<512xi32, #tpu.memory_space<vmem>> -> memref<64xi32, #tpu.memory_space<vmem>>
      %dma_wait3A_119 = arith.constant 0 : i32
      %dma_wait3A_120 = arith.constant 0 : i32
      %dma_wait3A_121 = tpu.memref_slice %arg2[%dma_wait3A_119, %dma_wait3A_120] : memref<30522x768xf32, #tpu.memory_space<hbm>> -> memref<30522x768xf32, #tpu.memory_space<hbm>>
      %dma_wait3A_122 = tpu.memref_slice %arg7[%dma_wait3A_113] : memref<2x!tpu.dma_semaphore, #tpu.memory_space<semaphore_mem>> -> memref<1x!tpu.dma_semaphore, #tpu.memory_space<semaphore_mem>>
      %dma_wait3A_123 = tpu.memref_squeeze %dma_wait3A_122 : memref<1x!tpu.dma_semaphore, #tpu.memory_space<semaphore_mem>> -> memref<!tpu.dma_semaphore, #tpu.memory_space<semaphore_mem>>
      tpu.wait_indirect_dma semaphore(%dma_wait3A_123 : memref<!tpu.dma_semaphore, #tpu.memory_space<semaphore_mem>>) src(%dma_wait3A_121 : memref<30522x768xf32, #tpu.memory_space<hbm>>) dst(%dma_wait3A_117 : memref<64x768xf32, #tpu.memory_space<vmem>>)
      %mul3A_124 = arith.constant 64 : i32
      %mul3A_125 = arith.muli %add3A_109, %mul3A_124 : i32
      %add3A_126 = arith.addi %mul3A_2, %mul3A_125 : i32
      %dma_start3A_127 = arith.constant 1 : i32
      %dma_start3A_128 = arith.constant 1 : i32
      %dma_start3A_129 = arith.constant 0 : i32
      %dma_start3A_130 = arith.constant 0 : i32
      %dma_start3A_131 = tpu.memref_slice %arg6[%dma_start3A_127, %dma_start3A_129, %dma_start3A_130] : memref<2x64x768xf32, #tpu.memory_space<vmem>> -> memref<1x64x768xf32, #tpu.memory_space<vmem>>
      %dma_start3A_132 = tpu.memref_squeeze %dma_start3A_131 : memref<1x64x768xf32, #tpu.memory_space<vmem>> -> memref<64x768xf32, #tpu.memory_space<vmem>>
      %dma_start3A_133 = arith.constant 0 : i32
      %dma_start3A_134 = tpu.memref_slice %arg4[%add3A_126, %dma_start3A_133] : memref<16384x768xf32, #tpu.memory_space<hbm>> -> memref<64x768xf32, #tpu.memory_space<hbm>>
      %dma_start3A_135 = tpu.memref_slice %arg8[%dma_start3A_128] : memref<2x!tpu.dma_semaphore, #tpu.memory_space<semaphore_mem>> -> memref<1x!tpu.dma_semaphore, #tpu.memory_space<semaphore_mem>>
      %dma_start3A_136 = tpu.memref_squeeze %dma_start3A_135 : memref<1x!tpu.dma_semaphore, #tpu.memory_space<semaphore_mem>> -> memref<!tpu.dma_semaphore, #tpu.memory_space<semaphore_mem>>
      %dma_start3A_137 = arith.constant 0 : i32
      %dma_start3A_138 = tpu.memref_slice %arg4[%add3A_126, %dma_start3A_137] : memref<16384x768xf32, #tpu.memory_space<hbm>> -> memref<64x768xf32, #tpu.memory_space<hbm>>
      %dma_start3A_139 = arith.constant 0 : i32
      %dma_start3A_140 = arith.constant 0 : i32
      %dma_start3A_141 = tpu.memref_slice %arg6[%dma_start3A_127, %dma_start3A_139, %dma_start3A_140] : memref<2x64x768xf32, #tpu.memory_space<vmem>> -> memref<1x64x768xf32, #tpu.memory_space<vmem>>
      %dma_start3A_142 = tpu.memref_squeeze %dma_start3A_141 : memref<1x64x768xf32, #tpu.memory_space<vmem>> -> memref<64x768xf32, #tpu.memory_space<vmem>>
      tpu.enqueue_dma source(%dma_start3A_142 : memref<64x768xf32, #tpu.memory_space<vmem>>) target(%dma_start3A_138 : memref<64x768xf32, #tpu.memory_space<hbm>>) target_semaphore(%dma_start3A_136 : memref<!tpu.dma_semaphore, #tpu.memory_space<semaphore_mem>>)
      %lt3A = arith.constant 3 : i32
      %lt3A_143 = arith.cmpi slt, %scan3A_68, %lt3A : i32
      %convert_element_type3A = arith.extui %lt3A_143 : i1 to i32
      %cond3A = arith.constant 0 : i32
      %cond3A_144 = arith.cmpi ne, %convert_element_type3A, %cond3A : i32
      scf.if %cond3A_144 {
        %mul3A_145 = arith.constant 2 : i32
        %mul3A_146 = arith.muli %mul3A_145, %scan3A_68 : i32
        %add3A_147 = arith.constant 0 : i32
        %add3A_148 = arith.addi %mul3A_146, %add3A_147 : i32
        %mul3A_149 = arith.constant 64 : i32
        %mul3A_150 = arith.muli %add3A_148, %mul3A_149 : i32
        %add3A_151 = arith.addi %mul3A_2, %mul3A_150 : i32
        %dma_wait3A_152 = arith.constant 0 : i32
        %dma_wait3A_153 = arith.constant 0 : i32
        %dma_wait3A_154 = arith.constant 0 : i32
        %dma_wait3A_155 = arith.constant 0 : i32
        %dma_wait3A_156 = tpu.memref_slice %arg6[%dma_wait3A_152, %dma_wait3A_154, %dma_wait3A_155] : memref<2x64x768xf32, #tpu.memory_space<vmem>> -> memref<1x64x768xf32, #tpu.memory_space<vmem>>
        %dma_wait3A_157 = tpu.memref_squeeze %dma_wait3A_156 : memref<1x64x768xf32, #tpu.memory_space<vmem>> -> memref<64x768xf32, #tpu.memory_space<vmem>>
        %dma_wait3A_158 = arith.constant 0 : i32
        %dma_wait3A_159 = tpu.memref_slice %arg4[%add3A_151, %dma_wait3A_158] : memref<16384x768xf32, #tpu.memory_space<hbm>> -> memref<64x768xf32, #tpu.memory_space<hbm>>
        %dma_wait3A_160 = tpu.memref_slice %arg8[%dma_wait3A_153] : memref<2x!tpu.dma_semaphore, #tpu.memory_space<semaphore_mem>> -> memref<1x!tpu.dma_semaphore, #tpu.memory_space<semaphore_mem>>
        %dma_wait3A_161 = tpu.memref_squeeze %dma_wait3A_160 : memref<1x!tpu.dma_semaphore, #tpu.memory_space<semaphore_mem>> -> memref<!tpu.dma_semaphore, #tpu.memory_space<semaphore_mem>>
        %dma_wait3A_162 = arith.constant 0 : i32
        %dma_wait3A_163 = tpu.memref_slice %arg4[%add3A_151, %dma_wait3A_162] : memref<16384x768xf32, #tpu.memory_space<hbm>> -> memref<64x768xf32, #tpu.memory_space<hbm>>
        %dma_wait3A_164 = arith.constant 0 : i32
        %dma_wait3A_165 = arith.constant 0 : i32
        %dma_wait3A_166 = tpu.memref_slice %arg6[%dma_wait3A_152, %dma_wait3A_164, %dma_wait3A_165] : memref<2x64x768xf32, #tpu.memory_space<vmem>> -> memref<1x64x768xf32, #tpu.memory_space<vmem>>
        %dma_wait3A_167 = tpu.memref_squeeze %dma_wait3A_166 : memref<1x64x768xf32, #tpu.memory_space<vmem>> -> memref<64x768xf32, #tpu.memory_space<vmem>>
        tpu.wait_dma2 semaphore(%dma_wait3A_161 : memref<!tpu.dma_semaphore, #tpu.memory_space<semaphore_mem>>) src(%dma_wait3A_167 : memref<64x768xf32, #tpu.memory_space<vmem>>) dst(%dma_wait3A_163 : memref<64x768xf32, #tpu.memory_space<hbm>>)
        %add3A_168 = arith.constant 2 : i32
        %add3A_169 = arith.addi %add3A_148, %add3A_168 : i32
        %mul3A_170 = arith.constant 64 : i32
        %mul3A_171 = arith.muli %add3A_169, %mul3A_170 : i32
        %dma_start3A_172 = arith.constant 0 : i32
        %dma_start3A_173 = arith.constant 0 : i32
        %dma_start3A_174 = arith.constant 0 : i32
        %dma_start3A_175 = arith.constant 0 : i32
        %dma_start3A_176 = tpu.memref_slice %arg6[%dma_start3A_172, %dma_start3A_174, %dma_start3A_175] : memref<2x64x768xf32, #tpu.memory_space<vmem>> -> memref<1x64x768xf32, #tpu.memory_space<vmem>>
        %dma_start3A_177 = tpu.memref_squeeze %dma_start3A_176 : memref<1x64x768xf32, #tpu.memory_space<vmem>> -> memref<64x768xf32, #tpu.memory_space<vmem>>
        %dma_start3A_178 = tpu.memref_slice %arg5[%mul3A_171] : memref<512xi32, #tpu.memory_space<vmem>> -> memref<64xi32, #tpu.memory_space<vmem>>
        %dma_start3A_179 = arith.constant 0 : i32
        %dma_start3A_180 = arith.constant 0 : i32
        %dma_start3A_181 = tpu.memref_slice %arg2[%dma_start3A_179, %dma_start3A_180] : memref<30522x768xf32, #tpu.memory_space<hbm>> -> memref<30522x768xf32, #tpu.memory_space<hbm>>
        %dma_start3A_182 = tpu.memref_slice %arg7[%dma_start3A_173] : memref<2x!tpu.dma_semaphore, #tpu.memory_space<semaphore_mem>> -> memref<1x!tpu.dma_semaphore, #tpu.memory_space<semaphore_mem>>
        %dma_start3A_183 = tpu.memref_squeeze %dma_start3A_182 : memref<1x!tpu.dma_semaphore, #tpu.memory_space<semaphore_mem>> -> memref<!tpu.dma_semaphore, #tpu.memory_space<semaphore_mem>>
        tpu.enqueue_indirect_dma source(%dma_start3A_181 : memref<30522x768xf32, #tpu.memory_space<hbm>>) target(%dma_start3A_177 : memref<64x768xf32, #tpu.memory_space<vmem>>) offsets(%dma_start3A_178 : memref<64xi32, #tpu.memory_space<vmem>>) semaphore(%dma_start3A_183 : memref<!tpu.dma_semaphore, #tpu.memory_space<semaphore_mem>>)
        %mul3A_184 = arith.constant 2 : i32
        %mul3A_185 = arith.muli %mul3A_184, %scan3A_68 : i32
        %add3A_186 = arith.constant 1 : i32
        %add3A_187 = arith.addi %mul3A_185, %add3A_186 : i32
        %mul3A_188 = arith.constant 64 : i32
        %mul3A_189 = arith.muli %add3A_187, %mul3A_188 : i32
        %add3A_190 = arith.addi %mul3A_2, %mul3A_189 : i32
        %dma_wait3A_191 = arith.constant 1 : i32
        %dma_wait3A_192 = arith.constant 1 : i32
        %dma_wait3A_193 = arith.constant 0 : i32
        %dma_wait3A_194 = arith.constant 0 : i32
        %dma_wait3A_195 = tpu.memref_slice %arg6[%dma_wait3A_191, %dma_wait3A_193, %dma_wait3A_194] : memref<2x64x768xf32, #tpu.memory_space<vmem>> -> memref<1x64x768xf32, #tpu.memory_space<vmem>>
        %dma_wait3A_196 = tpu.memref_squeeze %dma_wait3A_195 : memref<1x64x768xf32, #tpu.memory_space<vmem>> -> memref<64x768xf32, #tpu.memory_space<vmem>>
        %dma_wait3A_197 = arith.constant 0 : i32
        %dma_wait3A_198 = tpu.memref_slice %arg4[%add3A_190, %dma_wait3A_197] : memref<16384x768xf32, #tpu.memory_space<hbm>> -> memref<64x768xf32, #tpu.memory_space<hbm>>
        %dma_wait3A_199 = tpu.memref_slice %arg8[%dma_wait3A_192] : memref<2x!tpu.dma_semaphore, #tpu.memory_space<semaphore_mem>> -> memref<1x!tpu.dma_semaphore, #tpu.memory_space<semaphore_mem>>
        %dma_wait3A_200 = tpu.memref_squeeze %dma_wait3A_199 : memref<1x!tpu.dma_semaphore, #tpu.memory_space<semaphore_mem>> -> memref<!tpu.dma_semaphore, #tpu.memory_space<semaphore_mem>>
        %dma_wait3A_201 = arith.constant 0 : i32
        %dma_wait3A_202 = tpu.memref_slice %arg4[%add3A_190, %dma_wait3A_201] : memref<16384x768xf32, #tpu.memory_space<hbm>> -> memref<64x768xf32, #tpu.memory_space<hbm>>
        %dma_wait3A_203 = arith.constant 0 : i32
        %dma_wait3A_204 = arith.constant 0 : i32
        %dma_wait3A_205 = tpu.memref_slice %arg6[%dma_wait3A_191, %dma_wait3A_203, %dma_wait3A_204] : memref<2x64x768xf32, #tpu.memory_space<vmem>> -> memref<1x64x768xf32, #tpu.memory_space<vmem>>
        %dma_wait3A_206 = tpu.memref_squeeze %dma_wait3A_205 : memref<1x64x768xf32, #tpu.memory_space<vmem>> -> memref<64x768xf32, #tpu.memory_space<vmem>>
        tpu.wait_dma2 semaphore(%dma_wait3A_200 : memref<!tpu.dma_semaphore, #tpu.memory_space<semaphore_mem>>) src(%dma_wait3A_206 : memref<64x768xf32, #tpu.memory_space<vmem>>) dst(%dma_wait3A_202 : memref<64x768xf32, #tpu.memory_space<hbm>>)
        %add3A_207 = arith.constant 2 : i32
        %add3A_208 = arith.addi %add3A_187, %add3A_207 : i32
        %mul3A_209 = arith.constant 64 : i32
        %mul3A_210 = arith.muli %add3A_208, %mul3A_209 : i32
        %dma_start3A_211 = arith.constant 1 : i32
        %dma_start3A_212 = arith.constant 1 : i32
        %dma_start3A_213 = arith.constant 0 : i32
        %dma_start3A_214 = arith.constant 0 : i32
        %dma_start3A_215 = tpu.memref_slice %arg6[%dma_start3A_211, %dma_start3A_213, %dma_start3A_214] : memref<2x64x768xf32, #tpu.memory_space<vmem>> -> memref<1x64x768xf32, #tpu.memory_space<vmem>>
        %dma_start3A_216 = tpu.memref_squeeze %dma_start3A_215 : memref<1x64x768xf32, #tpu.memory_space<vmem>> -> memref<64x768xf32, #tpu.memory_space<vmem>>
        %dma_start3A_217 = tpu.memref_slice %arg5[%mul3A_210] : memref<512xi32, #tpu.memory_space<vmem>> -> memref<64xi32, #tpu.memory_space<vmem>>
        %dma_start3A_218 = arith.constant 0 : i32
        %dma_start3A_219 = arith.constant 0 : i32
        %dma_start3A_220 = tpu.memref_slice %arg2[%dma_start3A_218, %dma_start3A_219] : memref<30522x768xf32, #tpu.memory_space<hbm>> -> memref<30522x768xf32, #tpu.memory_space<hbm>>
        %dma_start3A_221 = tpu.memref_slice %arg7[%dma_start3A_212] : memref<2x!tpu.dma_semaphore, #tpu.memory_space<semaphore_mem>> -> memref<1x!tpu.dma_semaphore, #tpu.memory_space<semaphore_mem>>
        %dma_start3A_222 = tpu.memref_squeeze %dma_start3A_221 : memref<1x!tpu.dma_semaphore, #tpu.memory_space<semaphore_mem>> -> memref<!tpu.dma_semaphore, #tpu.memory_space<semaphore_mem>>
        tpu.enqueue_indirect_dma source(%dma_start3A_220 : memref<30522x768xf32, #tpu.memory_space<hbm>>) target(%dma_start3A_216 : memref<64x768xf32, #tpu.memory_space<vmem>>) offsets(%dma_start3A_217 : memref<64xi32, #tpu.memory_space<vmem>>) semaphore(%dma_start3A_222 : memref<!tpu.dma_semaphore, #tpu.memory_space<semaphore_mem>>)
      } else {
      }
    }
    %scan3A_32 = arith.constant 4 : i32
    %add3A_33 = arith.constant 384 : i32
    %add3A_34 = arith.addi %mul3A_2, %add3A_33 : i32
    %dma_wait3A = arith.constant 0 : i32
    %dma_wait3A_35 = arith.constant 0 : i32
    %dma_wait3A_36 = arith.constant 0 : i32
    %dma_wait3A_37 = arith.constant 0 : i32
    %dma_wait3A_38 = tpu.memref_slice %arg6[%dma_wait3A, %dma_wait3A_36, %dma_wait3A_37] : memref<2x64x768xf32, #tpu.memory_space<vmem>> -> memref<1x64x768xf32, #tpu.memory_space<vmem>>
    %dma_wait3A_39 = tpu.memref_squeeze %dma_wait3A_38 : memref<1x64x768xf32, #tpu.memory_space<vmem>> -> memref<64x768xf32, #tpu.memory_space<vmem>>
    %dma_wait3A_40 = arith.constant 0 : i32
    %dma_wait3A_41 = tpu.memref_slice %arg4[%add3A_34, %dma_wait3A_40] : memref<16384x768xf32, #tpu.memory_space<hbm>> -> memref<64x768xf32, #tpu.memory_space<hbm>>
    %dma_wait3A_42 = tpu.memref_slice %arg8[%dma_wait3A_35] : memref<2x!tpu.dma_semaphore, #tpu.memory_space<semaphore_mem>> -> memref<1x!tpu.dma_semaphore, #tpu.memory_space<semaphore_mem>>
    %dma_wait3A_43 = tpu.memref_squeeze %dma_wait3A_42 : memref<1x!tpu.dma_semaphore, #tpu.memory_space<semaphore_mem>> -> memref<!tpu.dma_semaphore, #tpu.memory_space<semaphore_mem>>
    %dma_wait3A_44 = arith.constant 0 : i32
    %dma_wait3A_45 = tpu.memref_slice %arg4[%add3A_34, %dma_wait3A_44] : memref<16384x768xf32, #tpu.memory_space<hbm>> -> memref<64x768xf32, #tpu.memory_space<hbm>>
    %dma_wait3A_46 = arith.constant 0 : i32
    %dma_wait3A_47 = arith.constant 0 : i32
    %dma_wait3A_48 = tpu.memref_slice %arg6[%dma_wait3A, %dma_wait3A_46, %dma_wait3A_47] : memref<2x64x768xf32, #tpu.memory_space<vmem>> -> memref<1x64x768xf32, #tpu.memory_space<vmem>>
    %dma_wait3A_49 = tpu.memref_squeeze %dma_wait3A_48 : memref<1x64x768xf32, #tpu.memory_space<vmem>> -> memref<64x768xf32, #tpu.memory_space<vmem>>
    tpu.wait_dma2 semaphore(%dma_wait3A_43 : memref<!tpu.dma_semaphore, #tpu.memory_space<semaphore_mem>>) src(%dma_wait3A_49 : memref<64x768xf32, #tpu.memory_space<vmem>>) dst(%dma_wait3A_45 : memref<64x768xf32, #tpu.memory_space<hbm>>)
    %add3A_50 = arith.constant 448 : i32
    %add3A_51 = arith.addi %mul3A_2, %add3A_50 : i32
    %dma_wait3A_52 = arith.constant 1 : i32
    %dma_wait3A_53 = arith.constant 1 : i32
    %dma_wait3A_54 = arith.constant 0 : i32
    %dma_wait3A_55 = arith.constant 0 : i32
    %dma_wait3A_56 = tpu.memref_slice %arg6[%dma_wait3A_52, %dma_wait3A_54, %dma_wait3A_55] : memref<2x64x768xf32, #tpu.memory_space<vmem>> -> memref<1x64x768xf32, #tpu.memory_space<vmem>>
    %dma_wait3A_57 = tpu.memref_squeeze %dma_wait3A_56 : memref<1x64x768xf32, #tpu.memory_space<vmem>> -> memref<64x768xf32, #tpu.memory_space<vmem>>
    %dma_wait3A_58 = arith.constant 0 : i32
    %dma_wait3A_59 = tpu.memref_slice %arg4[%add3A_51, %dma_wait3A_58] : memref<16384x768xf32, #tpu.memory_space<hbm>> -> memref<64x768xf32, #tpu.memory_space<hbm>>
    %dma_wait3A_60 = tpu.memref_slice %arg8[%dma_wait3A_53] : memref<2x!tpu.dma_semaphore, #tpu.memory_space<semaphore_mem>> -> memref<1x!tpu.dma_semaphore, #tpu.memory_space<semaphore_mem>>
    %dma_wait3A_61 = tpu.memref_squeeze %dma_wait3A_60 : memref<1x!tpu.dma_semaphore, #tpu.memory_space<semaphore_mem>> -> memref<!tpu.dma_semaphore, #tpu.memory_space<semaphore_mem>>
    %dma_wait3A_62 = arith.constant 0 : i32
    %dma_wait3A_63 = tpu.memref_slice %arg4[%add3A_51, %dma_wait3A_62] : memref<16384x768xf32, #tpu.memory_space<hbm>> -> memref<64x768xf32, #tpu.memory_space<hbm>>
    %dma_wait3A_64 = arith.constant 0 : i32
    %dma_wait3A_65 = arith.constant 0 : i32
    %dma_wait3A_66 = tpu.memref_slice %arg6[%dma_wait3A_52, %dma_wait3A_64, %dma_wait3A_65] : memref<2x64x768xf32, #tpu.memory_space<vmem>> -> memref<1x64x768xf32, #tpu.memory_space<vmem>>
    %dma_wait3A_67 = tpu.memref_squeeze %dma_wait3A_66 : memref<1x64x768xf32, #tpu.memory_space<vmem>> -> memref<64x768xf32, #tpu.memory_space<vmem>>
    tpu.wait_dma2 semaphore(%dma_wait3A_61 : memref<!tpu.dma_semaphore, #tpu.memory_space<semaphore_mem>>) src(%dma_wait3A_67 : memref<64x768xf32, #tpu.memory_space<vmem>>) dst(%dma_wait3A_63 : memref<64x768xf32, #tpu.memory_space<hbm>>)
    return
  }
}

#map = affine_map<(d0, d1) -> (0, 0)>
#map1 = affine_map<(d0, d1) -> (0)>
module attributes {stable_mosaic.version = 14 : i64} {
  func.func @k(%arg0: i32, %arg1: i32, %arg2: memref<30522x768xf32, #tpu.memory_space<hbm>>, %arg3: memref<16384xi32, #tpu.memory_space<hbm>>, %arg4: memref<16384x768xf32, #tpu.memory_space<hbm>>, %arg5: memref<512xi32, #tpu.memory_space<vmem>>, %arg6: memref<2x64x768xf32, #tpu.memory_space<vmem>>, %arg7: memref<2x!tpu.dma_semaphore, #tpu.memory_space<semaphore_mem>>, %arg8: memref<2x!tpu.dma_semaphore, #tpu.memory_space<semaphore_mem>>) attributes {dimension_semantics = [#tpu.dimension_semantics<core_parallel>, #tpu.dimension_semantics<subcore_parallel>], iteration_bounds = array<i64: 2, 16>, scalar_prefetch = 0 : i64, scratch_operands = 4 : i64, tpu.core_type = #tpu.core_type<sc_vector_subcore>, window_params = [{transform_indices = #map}, {transform_indices = #map1}, {transform_indices = #map}]} {
    %mul3A = arith.constant 2 : i32
    %mul3A_0 = arith.muli %arg1, %mul3A : i32
    %add3A = arith.addi %mul3A_0, %arg0 : i32
    %mul3A_1 = arith.constant 512 : i32
    %mul3A_2 = arith.muli %add3A, %mul3A_1 : i32
    "tpu.region"() ({
      %run_scoped3A = tpu.sem_alloc : memref<!tpu.dma_semaphore, #tpu.memory_space<semaphore_mem>>
      %dma_start3A_68 = tpu.memref_slice %arg3[%mul3A_2] : memref<16384xi32, #tpu.memory_space<hbm>> -> memref<512xi32, #tpu.memory_space<hbm>>
      %dma_start3A_69 = tpu.memref_slice %arg3[%mul3A_2] : memref<16384xi32, #tpu.memory_space<hbm>> -> memref<512xi32, #tpu.memory_space<hbm>>
      tpu.enqueue_dma source(%dma_start3A_69 : memref<512xi32, #tpu.memory_space<hbm>>) target(%arg5 : memref<512xi32, #tpu.memory_space<vmem>>) target_semaphore(%run_scoped3A : memref<!tpu.dma_semaphore, #tpu.memory_space<semaphore_mem>>)
      %dma_wait3A_70 = tpu.memref_slice %arg3[%mul3A_2] : memref<16384xi32, #tpu.memory_space<hbm>> -> memref<512xi32, #tpu.memory_space<hbm>>
      %dma_wait3A_71 = tpu.memref_slice %arg3[%mul3A_2] : memref<16384xi32, #tpu.memory_space<hbm>> -> memref<512xi32, #tpu.memory_space<hbm>>
      tpu.wait_dma2 semaphore(%run_scoped3A : memref<!tpu.dma_semaphore, #tpu.memory_space<semaphore_mem>>) src(%dma_wait3A_71 : memref<512xi32, #tpu.memory_space<hbm>>) dst(%arg5 : memref<512xi32, #tpu.memory_space<vmem>>)
      tpu.yield
    }) : () -> ()
    %dma_start3A = arith.constant 0 : i32
    %dma_start3A_3 = arith.constant 0 : i32
    %dma_start3A_4 = arith.constant 0 : i32
    %dma_start3A_5 = arith.constant 0 : i32
    %dma_start3A_6 = tpu.memref_slice %arg6[%dma_start3A, %dma_start3A_4, %dma_start3A_5] : memref<2x64x768xf32, #tpu.memory_space<vmem>> -> memref<1x64x768xf32, #tpu.memory_space<vmem>>
    %dma_start3A_7 = tpu.memref_squeeze %dma_start3A_6 : memref<1x64x768xf32, #tpu.memory_space<vmem>> -> memref<64x768xf32, #tpu.memory_space<vmem>>
    %dma_start3A_8 = arith.constant 0 : i32
    %dma_start3A_9 = tpu.memref_slice %arg5[%dma_start3A_8] : memref<512xi32, #tpu.memory_space<vmem>> -> memref<64xi32, #tpu.memory_space<vmem>>
    %dma_start3A_10 = arith.constant 0 : i32
    %dma_start3A_11 = arith.constant 0 : i32
    %dma_start3A_12 = tpu.memref_slice %arg2[%dma_start3A_10, %dma_start3A_11] : memref<30522x768xf32, #tpu.memory_space<hbm>> -> memref<30522x768xf32, #tpu.memory_space<hbm>>
    %dma_start3A_13 = tpu.memref_slice %arg7[%dma_start3A_3] : memref<2x!tpu.dma_semaphore, #tpu.memory_space<semaphore_mem>> -> memref<1x!tpu.dma_semaphore, #tpu.memory_space<semaphore_mem>>
    %dma_start3A_14 = tpu.memref_squeeze %dma_start3A_13 : memref<1x!tpu.dma_semaphore, #tpu.memory_space<semaphore_mem>> -> memref<!tpu.dma_semaphore, #tpu.memory_space<semaphore_mem>>
    tpu.enqueue_indirect_dma source(%dma_start3A_12 : memref<30522x768xf32, #tpu.memory_space<hbm>>) target(%dma_start3A_7 : memref<64x768xf32, #tpu.memory_space<vmem>>) offsets(%dma_start3A_9 : memref<64xi32, #tpu.memory_space<vmem>>) semaphore(%dma_start3A_14 : memref<!tpu.dma_semaphore, #tpu.memory_space<semaphore_mem>>)
    %dma_start3A_15 = arith.constant 1 : i32
    %dma_start3A_16 = arith.constant 1 : i32
    %dma_start3A_17 = arith.constant 0 : i32
    %dma_start3A_18 = arith.constant 0 : i32
    %dma_start3A_19 = tpu.memref_slice %arg6[%dma_start3A_15, %dma_start3A_17, %dma_start3A_18] : memref<2x64x768xf32, #tpu.memory_space<vmem>> -> memref<1x64x768xf32, #tpu.memory_space<vmem>>
    %dma_start3A_20 = tpu.memref_squeeze %dma_start3A_19 : memref<1x64x768xf32, #tpu.memory_space<vmem>> -> memref<64x768xf32, #tpu.memory_space<vmem>>
    %dma_start3A_21 = arith.constant 64 : i32
    %dma_start3A_22 = tpu.memref_slice %arg5[%dma_start3A_21] : memref<512xi32, #tpu.memory_space<vmem>> -> memref<64xi32, #tpu.memory_space<vmem>>
    %dma_start3A_23 = arith.constant 0 : i32
    %dma_start3A_24 = arith.constant 0 : i32
    %dma_start3A_25 = tpu.memref_slice %arg2[%dma_start3A_23, %dma_start3A_24] : memref<30522x768xf32, #tpu.memory_space<hbm>> -> memref<30522x768xf32, #tpu.memory_space<hbm>>
    %dma_start3A_26 = tpu.memref_slice %arg7[%dma_start3A_16] : memref<2x!tpu.dma_semaphore, #tpu.memory_space<semaphore_mem>> -> memref<1x!tpu.dma_semaphore, #tpu.memory_space<semaphore_mem>>
    %dma_start3A_27 = tpu.memref_squeeze %dma_start3A_26 : memref<1x!tpu.dma_semaphore, #tpu.memory_space<semaphore_mem>> -> memref<!tpu.dma_semaphore, #tpu.memory_space<semaphore_mem>>
    tpu.enqueue_indirect_dma source(%dma_start3A_25 : memref<30522x768xf32, #tpu.memory_space<hbm>>) target(%dma_start3A_20 : memref<64x768xf32, #tpu.memory_space<vmem>>) offsets(%dma_start3A_22 : memref<64xi32, #tpu.memory_space<vmem>>) semaphore(%dma_start3A_27 : memref<!tpu.dma_semaphore, #tpu.memory_space<semaphore_mem>>)
    %scan3A = arith.constant 0 : i32
    %scan3A_28 = arith.constant 0 : i32
    %scan3A_29 = arith.constant 4 : i32
    %scan3A_30 = arith.addi %scan3A_28, %scan3A_29 : i32
    %scan3A_31 = arith.constant 1 : i32
    scf.for %scan3A_68 = %scan3A_28 to %scan3A_30 step %scan3A_31  : i32 {
      %mul3A_69 = arith.constant 2 : i32
      %mul3A_70 = arith.muli %mul3A_69, %scan3A_68 : i32
      %add3A_71 = arith.constant 0 : i32
      %add3A_72 = arith.addi %mul3A_70, %add3A_71 : i32
      %mul3A_73 = arith.constant 64 : i32
      %mul3A_74 = arith.muli %add3A_72, %mul3A_73 : i32
      %dma_wait3A_75 = arith.constant 0 : i32
      %dma_wait3A_76 = arith.constant 0 : i32
      %dma_wait3A_77 = arith.constant 0 : i32
      %dma_wait3A_78 = arith.constant 0 : i32
      %dma_wait3A_79 = tpu.memref_slice %arg6[%dma_wait3A_75, %dma_wait3A_77, %dma_wait3A_78] : memref<2x64x768xf32, #tpu.memory_space<vmem>> -> memref<1x64x768xf32, #tpu.memory_space<vmem>>
      %dma_wait3A_80 = tpu.memref_squeeze %dma_wait3A_79 : memref<1x64x768xf32, #tpu.memory_space<vmem>> -> memref<64x768xf32, #tpu.memory_space<vmem>>
      %dma_wait3A_81 = tpu.memref_slice %arg5[%mul3A_74] : memref<512xi32, #tpu.memory_space<vmem>> -> memref<64xi32, #tpu.memory_space<vmem>>
      %dma_wait3A_82 = arith.constant 0 : i32
      %dma_wait3A_83 = arith.constant 0 : i32
      %dma_wait3A_84 = tpu.memref_slice %arg2[%dma_wait3A_82, %dma_wait3A_83] : memref<30522x768xf32, #tpu.memory_space<hbm>> -> memref<30522x768xf32, #tpu.memory_space<hbm>>
      %dma_wait3A_85 = tpu.memref_slice %arg7[%dma_wait3A_76] : memref<2x!tpu.dma_semaphore, #tpu.memory_space<semaphore_mem>> -> memref<1x!tpu.dma_semaphore, #tpu.memory_space<semaphore_mem>>
      %dma_wait3A_86 = tpu.memref_squeeze %dma_wait3A_85 : memref<1x!tpu.dma_semaphore, #tpu.memory_space<semaphore_mem>> -> memref<!tpu.dma_semaphore, #tpu.memory_space<semaphore_mem>>
      tpu.wait_indirect_dma semaphore(%dma_wait3A_86 : memref<!tpu.dma_semaphore, #tpu.memory_space<semaphore_mem>>) src(%dma_wait3A_84 : memref<30522x768xf32, #tpu.memory_space<hbm>>) dst(%dma_wait3A_80 : memref<64x768xf32, #tpu.memory_space<vmem>>)
      %mul3A_87 = arith.constant 64 : i32
      %mul3A_88 = arith.muli %add3A_72, %mul3A_87 : i32
      %add3A_89 = arith.addi %mul3A_2, %mul3A_88 : i32
      %dma_start3A_90 = arith.constant 0 : i32
      %dma_start3A_91 = arith.constant 0 : i32
      %dma_start3A_92 = arith.constant 0 : i32
      %dma_start3A_93 = arith.constant 0 : i32
      %dma_start3A_94 = tpu.memref_slice %arg6[%dma_start3A_90, %dma_start3A_92, %dma_start3A_93] : memref<2x64x768xf32, #tpu.memory_space<vmem>> -> memref<1x64x768xf32, #tpu.memory_space<vmem>>
      %dma_start3A_95 = tpu.memref_squeeze %dma_start3A_94 : memref<1x64x768xf32, #tpu.memory_space<vmem>> -> memref<64x768xf32, #tpu.memory_space<vmem>>
      %dma_start3A_96 = arith.constant 0 : i32
      %dma_start3A_97 = tpu.memref_slice %arg4[%add3A_89, %dma_start3A_96] : memref<16384x768xf32, #tpu.memory_space<hbm>> -> memref<64x768xf32, #tpu.memory_space<hbm>>
      %dma_start3A_98 = tpu.memref_slice %arg8[%dma_start3A_91] : memref<2x!tpu.dma_semaphore, #tpu.memory_space<semaphore_mem>> -> memref<1x!tpu.dma_semaphore, #tpu.memory_space<semaphore_mem>>
      %dma_start3A_99 = tpu.memref_squeeze %dma_start3A_98 : memref<1x!tpu.dma_semaphore, #tpu.memory_space<semaphore_mem>> -> memref<!tpu.dma_semaphore, #tpu.memory_space<semaphore_mem>>
      %dma_start3A_100 = arith.constant 0 : i32
      %dma_start3A_101 = tpu.memref_slice %arg4[%add3A_89, %dma_start3A_100] : memref<16384x768xf32, #tpu.memory_space<hbm>> -> memref<64x768xf32, #tpu.memory_space<hbm>>
      %dma_start3A_102 = arith.constant 0 : i32
      %dma_start3A_103 = arith.constant 0 : i32
      %dma_start3A_104 = tpu.memref_slice %arg6[%dma_start3A_90, %dma_start3A_102, %dma_start3A_103] : memref<2x64x768xf32, #tpu.memory_space<vmem>> -> memref<1x64x768xf32, #tpu.memory_space<vmem>>
      %dma_start3A_105 = tpu.memref_squeeze %dma_start3A_104 : memref<1x64x768xf32, #tpu.memory_space<vmem>> -> memref<64x768xf32, #tpu.memory_space<vmem>>
      tpu.enqueue_dma source(%dma_start3A_105 : memref<64x768xf32, #tpu.memory_space<vmem>>) target(%dma_start3A_101 : memref<64x768xf32, #tpu.memory_space<hbm>>) target_semaphore(%dma_start3A_99 : memref<!tpu.dma_semaphore, #tpu.memory_space<semaphore_mem>>)
      %mul3A_106 = arith.constant 2 : i32
      %mul3A_107 = arith.muli %mul3A_106, %scan3A_68 : i32
      %add3A_108 = arith.constant 1 : i32
      %add3A_109 = arith.addi %mul3A_107, %add3A_108 : i32
      %mul3A_110 = arith.constant 64 : i32
      %mul3A_111 = arith.muli %add3A_109, %mul3A_110 : i32
      %dma_wait3A_112 = arith.constant 1 : i32
      %dma_wait3A_113 = arith.constant 1 : i32
      %dma_wait3A_114 = arith.constant 0 : i32
      %dma_wait3A_115 = arith.constant 0 : i32
      %dma_wait3A_116 = tpu.memref_slice %arg6[%dma_wait3A_112, %dma_wait3A_114, %dma_wait3A_115] : memref<2x64x768xf32, #tpu.memory_space<vmem>> -> memref<1x64x768xf32, #tpu.memory_space<vmem>>
      %dma_wait3A_117 = tpu.memref_squeeze %dma_wait3A_116 : memref<1x64x768xf32, #tpu.memory_space<vmem>> -> memref<64x768xf32, #tpu.memory_space<vmem>>
      %dma_wait3A_118 = tpu.memref_slice %arg5[%mul3A_111] : memref<512xi32, #tpu.memory_space<vmem>> -> memref<64xi32, #tpu.memory_space<vmem>>
      %dma_wait3A_119 = arith.constant 0 : i32
      %dma_wait3A_120 = arith.constant 0 : i32
      %dma_wait3A_121 = tpu.memref_slice %arg2[%dma_wait3A_119, %dma_wait3A_120] : memref<30522x768xf32, #tpu.memory_space<hbm>> -> memref<30522x768xf32, #tpu.memory_space<hbm>>
      %dma_wait3A_122 = tpu.memref_slice %arg7[%dma_wait3A_113] : memref<2x!tpu.dma_semaphore, #tpu.memory_space<semaphore_mem>> -> memref<1x!tpu.dma_semaphore, #tpu.memory_space<semaphore_mem>>
      %dma_wait3A_123 = tpu.memref_squeeze %dma_wait3A_122 : memref<1x!tpu.dma_semaphore, #tpu.memory_space<semaphore_mem>> -> memref<!tpu.dma_semaphore, #tpu.memory_space<semaphore_mem>>
      tpu.wait_indirect_dma semaphore(%dma_wait3A_123 : memref<!tpu.dma_semaphore, #tpu.memory_space<semaphore_mem>>) src(%dma_wait3A_121 : memref<30522x768xf32, #tpu.memory_space<hbm>>) dst(%dma_wait3A_117 : memref<64x768xf32, #tpu.memory_space<vmem>>)
      %mul3A_124 = arith.constant 64 : i32
      %mul3A_125 = arith.muli %add3A_109, %mul3A_124 : i32
      %add3A_126 = arith.addi %mul3A_2, %mul3A_125 : i32
      %dma_start3A_127 = arith.constant 1 : i32
      %dma_start3A_128 = arith.constant 1 : i32
      %dma_start3A_129 = arith.constant 0 : i32
      %dma_start3A_130 = arith.constant 0 : i32
      %dma_start3A_131 = tpu.memref_slice %arg6[%dma_start3A_127, %dma_start3A_129, %dma_start3A_130] : memref<2x64x768xf32, #tpu.memory_space<vmem>> -> memref<1x64x768xf32, #tpu.memory_space<vmem>>
      %dma_start3A_132 = tpu.memref_squeeze %dma_start3A_131 : memref<1x64x768xf32, #tpu.memory_space<vmem>> -> memref<64x768xf32, #tpu.memory_space<vmem>>
      %dma_start3A_133 = arith.constant 0 : i32
      %dma_start3A_134 = tpu.memref_slice %arg4[%add3A_126, %dma_start3A_133] : memref<16384x768xf32, #tpu.memory_space<hbm>> -> memref<64x768xf32, #tpu.memory_space<hbm>>
      %dma_start3A_135 = tpu.memref_slice %arg8[%dma_start3A_128] : memref<2x!tpu.dma_semaphore, #tpu.memory_space<semaphore_mem>> -> memref<1x!tpu.dma_semaphore, #tpu.memory_space<semaphore_mem>>
      %dma_start3A_136 = tpu.memref_squeeze %dma_start3A_135 : memref<1x!tpu.dma_semaphore, #tpu.memory_space<semaphore_mem>> -> memref<!tpu.dma_semaphore, #tpu.memory_space<semaphore_mem>>
      %dma_start3A_137 = arith.constant 0 : i32
      %dma_start3A_138 = tpu.memref_slice %arg4[%add3A_126, %dma_start3A_137] : memref<16384x768xf32, #tpu.memory_space<hbm>> -> memref<64x768xf32, #tpu.memory_space<hbm>>
      %dma_start3A_139 = arith.constant 0 : i32
      %dma_start3A_140 = arith.constant 0 : i32
      %dma_start3A_141 = tpu.memref_slice %arg6[%dma_start3A_127, %dma_start3A_139, %dma_start3A_140] : memref<2x64x768xf32, #tpu.memory_space<vmem>> -> memref<1x64x768xf32, #tpu.memory_space<vmem>>
      %dma_start3A_142 = tpu.memref_squeeze %dma_start3A_141 : memref<1x64x768xf32, #tpu.memory_space<vmem>> -> memref<64x768xf32, #tpu.memory_space<vmem>>
      tpu.enqueue_dma source(%dma_start3A_142 : memref<64x768xf32, #tpu.memory_space<vmem>>) target(%dma_start3A_138 : memref<64x768xf32, #tpu.memory_space<hbm>>) target_semaphore(%dma_start3A_136 : memref<!tpu.dma_semaphore, #tpu.memory_space<semaphore_mem>>)
      %lt3A = arith.constant 3 : i32
      %lt3A_143 = arith.cmpi slt, %scan3A_68, %lt3A : i32
      %convert_element_type3A = arith.extui %lt3A_143 : i1 to i32
      %cond3A = arith.constant 0 : i32
      %cond3A_144 = arith.cmpi ne, %convert_element_type3A, %cond3A : i32
      scf.if %cond3A_144 {
        %mul3A_145 = arith.constant 2 : i32
        %mul3A_146 = arith.muli %mul3A_145, %scan3A_68 : i32
        %add3A_147 = arith.constant 0 : i32
        %add3A_148 = arith.addi %mul3A_146, %add3A_147 : i32
        %mul3A_149 = arith.constant 64 : i32
        %mul3A_150 = arith.muli %add3A_148, %mul3A_149 : i32
        %add3A_151 = arith.addi %mul3A_2, %mul3A_150 : i32
        %dma_wait3A_152 = arith.constant 0 : i32
        %dma_wait3A_153 = arith.constant 0 : i32
        %dma_wait3A_154 = arith.constant 0 : i32
        %dma_wait3A_155 = arith.constant 0 : i32
        %dma_wait3A_156 = tpu.memref_slice %arg6[%dma_wait3A_152, %dma_wait3A_154, %dma_wait3A_155] : memref<2x64x768xf32, #tpu.memory_space<vmem>> -> memref<1x64x768xf32, #tpu.memory_space<vmem>>
        %dma_wait3A_157 = tpu.memref_squeeze %dma_wait3A_156 : memref<1x64x768xf32, #tpu.memory_space<vmem>> -> memref<64x768xf32, #tpu.memory_space<vmem>>
        %dma_wait3A_158 = arith.constant 0 : i32
        %dma_wait3A_159 = tpu.memref_slice %arg4[%add3A_151, %dma_wait3A_158] : memref<16384x768xf32, #tpu.memory_space<hbm>> -> memref<64x768xf32, #tpu.memory_space<hbm>>
        %dma_wait3A_160 = tpu.memref_slice %arg8[%dma_wait3A_153] : memref<2x!tpu.dma_semaphore, #tpu.memory_space<semaphore_mem>> -> memref<1x!tpu.dma_semaphore, #tpu.memory_space<semaphore_mem>>
        %dma_wait3A_161 = tpu.memref_squeeze %dma_wait3A_160 : memref<1x!tpu.dma_semaphore, #tpu.memory_space<semaphore_mem>> -> memref<!tpu.dma_semaphore, #tpu.memory_space<semaphore_mem>>
        %dma_wait3A_162 = arith.constant 0 : i32
        %dma_wait3A_163 = tpu.memref_slice %arg4[%add3A_151, %dma_wait3A_162] : memref<16384x768xf32, #tpu.memory_space<hbm>> -> memref<64x768xf32, #tpu.memory_space<hbm>>
        %dma_wait3A_164 = arith.constant 0 : i32
        %dma_wait3A_165 = arith.constant 0 : i32
        %dma_wait3A_166 = tpu.memref_slice %arg6[%dma_wait3A_152, %dma_wait3A_164, %dma_wait3A_165] : memref<2x64x768xf32, #tpu.memory_space<vmem>> -> memref<1x64x768xf32, #tpu.memory_space<vmem>>
        %dma_wait3A_167 = tpu.memref_squeeze %dma_wait3A_166 : memref<1x64x768xf32, #tpu.memory_space<vmem>> -> memref<64x768xf32, #tpu.memory_space<vmem>>
        tpu.wait_dma2 semaphore(%dma_wait3A_161 : memref<!tpu.dma_semaphore, #tpu.memory_space<semaphore_mem>>) src(%dma_wait3A_167 : memref<64x768xf32, #tpu.memory_space<vmem>>) dst(%dma_wait3A_163 : memref<64x768xf32, #tpu.memory_space<hbm>>)
        %add3A_168 = arith.constant 2 : i32
        %add3A_169 = arith.addi %add3A_148, %add3A_168 : i32
        %mul3A_170 = arith.constant 64 : i32
        %mul3A_171 = arith.muli %add3A_169, %mul3A_170 : i32
        %dma_start3A_172 = arith.constant 0 : i32
        %dma_start3A_173 = arith.constant 0 : i32
        %dma_start3A_174 = arith.constant 0 : i32
        %dma_start3A_175 = arith.constant 0 : i32
        %dma_start3A_176 = tpu.memref_slice %arg6[%dma_start3A_172, %dma_start3A_174, %dma_start3A_175] : memref<2x64x768xf32, #tpu.memory_space<vmem>> -> memref<1x64x768xf32, #tpu.memory_space<vmem>>
        %dma_start3A_177 = tpu.memref_squeeze %dma_start3A_176 : memref<1x64x768xf32, #tpu.memory_space<vmem>> -> memref<64x768xf32, #tpu.memory_space<vmem>>
        %dma_start3A_178 = tpu.memref_slice %arg5[%mul3A_171] : memref<512xi32, #tpu.memory_space<vmem>> -> memref<64xi32, #tpu.memory_space<vmem>>
        %dma_start3A_179 = arith.constant 0 : i32
        %dma_start3A_180 = arith.constant 0 : i32
        %dma_start3A_181 = tpu.memref_slice %arg2[%dma_start3A_179, %dma_start3A_180] : memref<30522x768xf32, #tpu.memory_space<hbm>> -> memref<30522x768xf32, #tpu.memory_space<hbm>>
        %dma_start3A_182 = tpu.memref_slice %arg7[%dma_start3A_173] : memref<2x!tpu.dma_semaphore, #tpu.memory_space<semaphore_mem>> -> memref<1x!tpu.dma_semaphore, #tpu.memory_space<semaphore_mem>>
        %dma_start3A_183 = tpu.memref_squeeze %dma_start3A_182 : memref<1x!tpu.dma_semaphore, #tpu.memory_space<semaphore_mem>> -> memref<!tpu.dma_semaphore, #tpu.memory_space<semaphore_mem>>
        tpu.enqueue_indirect_dma source(%dma_start3A_181 : memref<30522x768xf32, #tpu.memory_space<hbm>>) target(%dma_start3A_177 : memref<64x768xf32, #tpu.memory_space<vmem>>) offsets(%dma_start3A_178 : memref<64xi32, #tpu.memory_space<vmem>>) semaphore(%dma_start3A_183 : memref<!tpu.dma_semaphore, #tpu.memory_space<semaphore_mem>>)
        %mul3A_184 = arith.constant 2 : i32
        %mul3A_185 = arith.muli %mul3A_184, %scan3A_68 : i32
        %add3A_186 = arith.constant 1 : i32
        %add3A_187 = arith.addi %mul3A_185, %add3A_186 : i32
        %mul3A_188 = arith.constant 64 : i32
        %mul3A_189 = arith.muli %add3A_187, %mul3A_188 : i32
        %add3A_190 = arith.addi %mul3A_2, %mul3A_189 : i32
        %dma_wait3A_191 = arith.constant 1 : i32
        %dma_wait3A_192 = arith.constant 1 : i32
        %dma_wait3A_193 = arith.constant 0 : i32
        %dma_wait3A_194 = arith.constant 0 : i32
        %dma_wait3A_195 = tpu.memref_slice %arg6[%dma_wait3A_191, %dma_wait3A_193, %dma_wait3A_194] : memref<2x64x768xf32, #tpu.memory_space<vmem>> -> memref<1x64x768xf32, #tpu.memory_space<vmem>>
        %dma_wait3A_196 = tpu.memref_squeeze %dma_wait3A_195 : memref<1x64x768xf32, #tpu.memory_space<vmem>> -> memref<64x768xf32, #tpu.memory_space<vmem>>
        %dma_wait3A_197 = arith.constant 0 : i32
        %dma_wait3A_198 = tpu.memref_slice %arg4[%add3A_190, %dma_wait3A_197] : memref<16384x768xf32, #tpu.memory_space<hbm>> -> memref<64x768xf32, #tpu.memory_space<hbm>>
        %dma_wait3A_199 = tpu.memref_slice %arg8[%dma_wait3A_192] : memref<2x!tpu.dma_semaphore, #tpu.memory_space<semaphore_mem>> -> memref<1x!tpu.dma_semaphore, #tpu.memory_space<semaphore_mem>>
        %dma_wait3A_200 = tpu.memref_squeeze %dma_wait3A_199 : memref<1x!tpu.dma_semaphore, #tpu.memory_space<semaphore_mem>> -> memref<!tpu.dma_semaphore, #tpu.memory_space<semaphore_mem>>
        %dma_wait3A_201 = arith.constant 0 : i32
        %dma_wait3A_202 = tpu.memref_slice %arg4[%add3A_190, %dma_wait3A_201] : memref<16384x768xf32, #tpu.memory_space<hbm>> -> memref<64x768xf32, #tpu.memory_space<hbm>>
        %dma_wait3A_203 = arith.constant 0 : i32
        %dma_wait3A_204 = arith.constant 0 : i32
        %dma_wait3A_205 = tpu.memref_slice %arg6[%dma_wait3A_191, %dma_wait3A_203, %dma_wait3A_204] : memref<2x64x768xf32, #tpu.memory_space<vmem>> -> memref<1x64x768xf32, #tpu.memory_space<vmem>>
        %dma_wait3A_206 = tpu.memref_squeeze %dma_wait3A_205 : memref<1x64x768xf32, #tpu.memory_space<vmem>> -> memref<64x768xf32, #tpu.memory_space<vmem>>
        tpu.wait_dma2 semaphore(%dma_wait3A_200 : memref<!tpu.dma_semaphore, #tpu.memory_space<semaphore_mem>>) src(%dma_wait3A_206 : memref<64x768xf32, #tpu.memory_space<vmem>>) dst(%dma_wait3A_202 : memref<64x768xf32, #tpu.memory_space<hbm>>)
        %add3A_207 = arith.constant 2 : i32
        %add3A_208 = arith.addi %add3A_187, %add3A_207 : i32
        %mul3A_209 = arith.constant 64 : i32
        %mul3A_210 = arith.muli %add3A_208, %mul3A_209 : i32
        %dma_start3A_211 = arith.constant 1 : i32
        %dma_start3A_212 = arith.constant 1 : i32
        %dma_start3A_213 = arith.constant 0 : i32
        %dma_start3A_214 = arith.constant 0 : i32
        %dma_start3A_215 = tpu.memref_slice %arg6[%dma_start3A_211, %dma_start3A_213, %dma_start3A_214] : memref<2x64x768xf32, #tpu.memory_space<vmem>> -> memref<1x64x768xf32, #tpu.memory_space<vmem>>
        %dma_start3A_216 = tpu.memref_squeeze %dma_start3A_215 : memref<1x64x768xf32, #tpu.memory_space<vmem>> -> memref<64x768xf32, #tpu.memory_space<vmem>>
        %dma_start3A_217 = tpu.memref_slice %arg5[%mul3A_210] : memref<512xi32, #tpu.memory_space<vmem>> -> memref<64xi32, #tpu.memory_space<vmem>>
        %dma_start3A_218 = arith.constant 0 : i32
        %dma_start3A_219 = arith.constant 0 : i32
        %dma_start3A_220 = tpu.memref_slice %arg2[%dma_start3A_218, %dma_start3A_219] : memref<30522x768xf32, #tpu.memory_space<hbm>> -> memref<30522x768xf32, #tpu.memory_space<hbm>>
        %dma_start3A_221 = tpu.memref_slice %arg7[%dma_start3A_212] : memref<2x!tpu.dma_semaphore, #tpu.memory_space<semaphore_mem>> -> memref<1x!tpu.dma_semaphore, #tpu.memory_space<semaphore_mem>>
        %dma_start3A_222 = tpu.memref_squeeze %dma_start3A_221 : memref<1x!tpu.dma_semaphore, #tpu.memory_space<semaphore_mem>> -> memref<!tpu.dma_semaphore, #tpu.memory_space<semaphore_mem>>
        tpu.enqueue_indirect_dma source(%dma_start3A_220 : memref<30522x768xf32, #tpu.memory_space<hbm>>) target(%dma_start3A_216 : memref<64x768xf32, #tpu.memory_space<vmem>>) offsets(%dma_start3A_217 : memref<64xi32, #tpu.memory_space<vmem>>) semaphore(%dma_start3A_222 : memref<!tpu.dma_semaphore, #tpu.memory_space<semaphore_mem>>)
      } else {
      }
    }
    %scan3A_32 = arith.constant 4 : i32
    %add3A_33 = arith.constant 384 : i32
    %add3A_34 = arith.addi %mul3A_2, %add3A_33 : i32
    %dma_wait3A = arith.constant 0 : i32
    %dma_wait3A_35 = arith.constant 0 : i32
    %dma_wait3A_36 = arith.constant 0 : i32
    %dma_wait3A_37 = arith.constant 0 : i32
    %dma_wait3A_38 = tpu.memref_slice %arg6[%dma_wait3A, %dma_wait3A_36, %dma_wait3A_37] : memref<2x64x768xf32, #tpu.memory_space<vmem>> -> memref<1x64x768xf32, #tpu.memory_space<vmem>>
    %dma_wait3A_39 = tpu.memref_squeeze %dma_wait3A_38 : memref<1x64x768xf32, #tpu.memory_space<vmem>> -> memref<64x768xf32, #tpu.memory_space<vmem>>
    %dma_wait3A_40 = arith.constant 0 : i32
    %dma_wait3A_41 = tpu.memref_slice %arg4[%add3A_34, %dma_wait3A_40] : memref<16384x768xf32, #tpu.memory_space<hbm>> -> memref<64x768xf32, #tpu.memory_space<hbm>>
    %dma_wait3A_42 = tpu.memref_slice %arg8[%dma_wait3A_35] : memref<2x!tpu.dma_semaphore, #tpu.memory_space<semaphore_mem>> -> memref<1x!tpu.dma_semaphore, #tpu.memory_space<semaphore_mem>>
    %dma_wait3A_43 = tpu.memref_squeeze %dma_wait3A_42 : memref<1x!tpu.dma_semaphore, #tpu.memory_space<semaphore_mem>> -> memref<!tpu.dma_semaphore, #tpu.memory_space<semaphore_mem>>
    %dma_wait3A_44 = arith.constant 0 : i32
    %dma_wait3A_45 = tpu.memref_slice %arg4[%add3A_34, %dma_wait3A_44] : memref<16384x768xf32, #tpu.memory_space<hbm>> -> memref<64x768xf32, #tpu.memory_space<hbm>>
    %dma_wait3A_46 = arith.constant 0 : i32
    %dma_wait3A_47 = arith.constant 0 : i32
    %dma_wait3A_48 = tpu.memref_slice %arg6[%dma_wait3A, %dma_wait3A_46, %dma_wait3A_47] : memref<2x64x768xf32, #tpu.memory_space<vmem>> -> memref<1x64x768xf32, #tpu.memory_space<vmem>>
    %dma_wait3A_49 = tpu.memref_squeeze %dma_wait3A_48 : memref<1x64x768xf32, #tpu.memory_space<vmem>> -> memref<64x768xf32, #tpu.memory_space<vmem>>
    tpu.wait_dma2 semaphore(%dma_wait3A_43 : memref<!tpu.dma_semaphore, #tpu.memory_space<semaphore_mem>>) src(%dma_wait3A_49 : memref<64x768xf32, #tpu.memory_space<vmem>>) dst(%dma_wait3A_45 : memref<64x768xf32, #tpu.memory_space<hbm>>)
    %add3A_50 = arith.constant 448 : i32
    %add3A_51 = arith.addi %mul3A_2, %add3A_50 : i32
    %dma_wait3A_52 = arith.constant 1 : i32
    %dma_wait3A_53 = arith.constant 1 : i32
    %dma_wait3A_54 = arith.constant 0 : i32
    %dma_wait3A_55 = arith.constant 0 : i32
    %dma_wait3A_56 = tpu.memref_slice %arg6[%dma_wait3A_52, %dma_wait3A_54, %dma_wait3A_55] : memref<2x64x768xf32, #tpu.memory_space<vmem>> -> memref<1x64x768xf32, #tpu.memory_space<vmem>>
    %dma_wait3A_57 = tpu.memref_squeeze %dma_wait3A_56 : memref<1x64x768xf32, #tpu.memory_space<vmem>> -> memref<64x768xf32, #tpu.memory_space<vmem>>
    %dma_wait3A_58 = arith.constant 0 : i32
    %dma_wait3A_59 = tpu.memref_slice %arg4[%add3A_51, %dma_wait3A_58] : memref<16384x768xf32, #tpu.memory_space<hbm>> -> memref<64x768xf32, #tpu.memory_space<hbm>>
    %dma_wait3A_60 = tpu.memref_slice %arg8[%dma_wait3A_53] : memref<2x!tpu.dma_semaphore, #tpu.memory_space<semaphore_mem>> -> memref<1x!tpu.dma_semaphore, #tpu.memory_space<semaphore_mem>>
    %dma_wait3A_61 = tpu.memref_squeeze %dma_wait3A_60 : memref<1x!tpu.dma_semaphore, #tpu.memory_space<semaphore_mem>> -> memref<!tpu.dma_semaphore, #tpu.memory_space<semaphore_mem>>
    %dma_wait3A_62 = arith.constant 0 : i32
    %dma_wait3A_63 = tpu.memref_slice %arg4[%add3A_51, %dma_wait3A_62] : memref<16384x768xf32, #tpu.memory_space<hbm>> -> memref<64x768xf32, #tpu.memory_space<hbm>>
    %dma_wait3A_64 = arith.constant 0 : i32
    %dma_wait3A_65 = arith.constant 0 : i32
    %dma_wait3A_66 = tpu.memref_slice %arg6[%dma_wait3A_52, %dma_wait3A_64, %dma_wait3A_65] : memref<2x64x768xf32, #tpu.memory_space<vmem>> -> memref<1x64x768xf32, #tpu.memory_space<vmem>>
    %dma_wait3A_67 = tpu.memref_squeeze %dma_wait3A_66 : memref<1x64x768xf32, #tpu.memory_space<vmem>> -> memref<64x768xf32, #tpu.memory_space<vmem>>
    tpu.wait_dma2 semaphore(%dma_wait3A_61 : memref<!tpu.dma_semaphore, #tpu.memory_space<semaphore_mem>>) src(%dma_wait3A_67 : memref<64x768xf32, #tpu.memory_space<vmem>>) dst(%dma_wait3A_63 : memref<64x768xf32, #tpu.memory_space<hbm>>)
    return
  }
}

module attributes {stable_mosaic.version = 14 : i64} {
  func.func @_tc_img_body(%arg0: i32, %arg1: memref<16x64x2048xf32, #tpu.memory_space<vmem>>, %arg2: memref<7x1024xi32, #tpu.memory_space<vmem>>, %arg3: memref<7x1024xi32, #tpu.memory_space<vmem>>, %arg4: memref<520x768xbf16, #tpu.memory_space<vmem>>, %arg5: memref<2048x768xf32, #tpu.memory_space<vmem>>, %arg6: memref<8x768xf32, #tpu.memory_space<vmem>>, %arg7: memref<16x64x768xf32, #tpu.memory_space<vmem>>) attributes {dimension_semantics = [#tpu.dimension_semantics<arbitrary>], iteration_bounds = array<i64: 7>, scalar_prefetch = 0 : i64, scratch_operands = 0 : i64, tpu.core_type = #tpu.core_type<tc>, window_params = [{transform_indices = @transform_0, window_bounds = array<i64: 16, 64, 2048>}, {pipeline_mode = #tpu.pipeline_mode<synchronous>, transform_indices = @transform_1, window_bounds = array<i64: 7, 1024>}, {pipeline_mode = #tpu.pipeline_mode<synchronous>, transform_indices = @transform_2, window_bounds = array<i64: 7, 1024>}, {pipeline_mode = #tpu.pipeline_mode<synchronous>, transform_indices = @transform_3, window_bounds = array<i64: 520, 768>}, {pipeline_mode = #tpu.pipeline_mode<synchronous>, transform_indices = @transform_4, window_bounds = array<i64: 2048, 768>}, {pipeline_mode = #tpu.pipeline_mode<synchronous>, transform_indices = @transform_5, window_bounds = array<i64: 8, 768>}, {transform_indices = @transform_6, window_bounds = array<i64: 16, 64, 768>}]} {
    %get3A = arith.constant 2 : index
    %get3A_0 = arith.constant 0 : index
    %get3A_1 = vector.load %arg6[%get3A, %get3A_0] : memref<8x768xf32, #tpu.memory_space<vmem>>, vector<1x768xf32>
    %get3A_2 = vector.shape_cast %get3A_1 : vector<1x768xf32> to vector<768xf32>
    %get3A_3 = arith.constant 3 : index
    %get3A_4 = arith.constant 0 : index
    %get3A_5 = vector.load %arg6[%get3A_3, %get3A_4] : memref<8x768xf32, #tpu.memory_space<vmem>>, vector<1x768xf32>
    %get3A_6 = vector.shape_cast %get3A_5 : vector<1x768xf32> to vector<768xf32>
    %get3A_7 = arith.constant 4 : index
    %get3A_8 = arith.constant 0 : index
    %get3A_9 = vector.load %arg6[%get3A_7, %get3A_8] : memref<8x768xf32, #tpu.memory_space<vmem>>, vector<1x768xf32>
    %get3A_10 = vector.shape_cast %get3A_9 : vector<1x768xf32> to vector<768xf32>
    %get3A_11 = arith.constant 5 : index
    %get3A_12 = arith.constant 0 : index
    %get3A_13 = vector.load %arg6[%get3A_11, %get3A_12] : memref<8x768xf32, #tpu.memory_space<vmem>>, vector<1x768xf32>
    %get3A_14 = vector.shape_cast %get3A_13 : vector<1x768xf32> to vector<768xf32>
    %get3A_15 = arith.constant 6 : index
    %get3A_16 = arith.constant 0 : index
    %get3A_17 = vector.load %arg6[%get3A_15, %get3A_16] : memref<8x768xf32, #tpu.memory_space<vmem>>, vector<1x768xf32>
    %get3A_18 = vector.shape_cast %get3A_17 : vector<1x768xf32> to vector<768xf32>
    %get3A_19 = arith.constant 0 : index
    %get3A_20 = arith.constant 0 : index
    %get3A_21 = arith.constant 0 : index
    %get3A_22 = vector.load %arg1[%get3A_19, %get3A_20, %get3A_21] : memref<16x64x2048xf32, #tpu.memory_space<vmem>>, vector<16x64x2048xf32>
    %reshape3A = vector.shape_cast %get3A_22 : vector<16x64x2048xf32> to vector<1024x2048xf32>
    %get3A_23 = arith.constant 0 : index
    %get3A_24 = arith.constant 0 : index
    %get3A_25 = vector.load %arg5[%get3A_23, %get3A_24] : memref<2048x768xf32, #tpu.memory_space<vmem>>, vector<2048x768xf32>
    %dot_general3A = arith.constant dense<0.000000e+00> : vector<1024x768xf32>
    %dot_general3A_26 = tpu.matmul %reshape3A, %get3A_25, %dot_general3A {dimension_numbers = #tpu.dot_dimension_numbers<[1], [0], [0], [1], [0, 0, 1, 1], [], []>, transpose_lhs_hint = false} : vector<1024x2048xf32>, vector<2048x768xf32>, vector<1024x768xf32> -> vector<1024x768xf32>
    %broadcast_in_dim3A = vector.shape_cast %get3A_2 : vector<768xf32> to vector<1x768xf32>
    %add3A = vector.broadcast %broadcast_in_dim3A : vector<1x768xf32> to vector<1024x768xf32>
    %add3A_27 = arith.addf %dot_general3A_26, %add3A : vector<1024x768xf32>
    %reduce_sum3A = arith.constant dense<0.000000e+00> : vector<1024xf32>
    %reduce_sum3A_28 = vector.multi_reduction <add>, %add3A_27, %reduce_sum3A [1] : vector<1024x768xf32> to vector<1024xf32>
    %broadcast_in_dim3A_29 = vector.shape_cast %reduce_sum3A_28 : vector<1024xf32> to vector<1024x1xf32>
    %div3A = arith.constant 7.680000e+02 : f32
    %div3A_30 = vector.broadcast %div3A : f32 to vector<1024x1xf32>
    %div3A_31 = arith.divf %broadcast_in_dim3A_29, %div3A_30 : vector<1024x1xf32>
    %sub3A = vector.broadcast %div3A_31 : vector<1024x1xf32> to vector<1024x768xf32>
    %sub3A_32 = arith.subf %add3A_27, %sub3A : vector<1024x768xf32>
    %integer_pow3A = arith.mulf %sub3A_32, %sub3A_32 : vector<1024x768xf32>
    %reduce_sum3A_33 = arith.constant dense<0.000000e+00> : vector<1024xf32>
    %reduce_sum3A_34 = vector.multi_reduction <add>, %integer_pow3A, %reduce_sum3A_33 [1] : vector<1024x768xf32> to vector<1024xf32>
    %broadcast_in_dim3A_35 = vector.shape_cast %reduce_sum3A_34 : vector<1024xf32> to vector<1024x1xf32>
    %div3A_36 = arith.constant 7.680000e+02 : f32
    %div3A_37 = vector.broadcast %div3A_36 : f32 to vector<1024x1xf32>
    %div3A_38 = arith.divf %broadcast_in_dim3A_35, %div3A_37 : vector<1024x1xf32>
    %sub3A_39 = vector.broadcast %div3A_31 : vector<1024x1xf32> to vector<1024x768xf32>
    %sub3A_40 = arith.subf %add3A_27, %sub3A_39 : vector<1024x768xf32>
    %add3A_41 = arith.constant 9.99999996E-13 : f32
    %add3A_42 = vector.broadcast %add3A_41 : f32 to vector<1024x1xf32>
    %add3A_43 = arith.addf %div3A_38, %add3A_42 : vector<1024x1xf32>
    %rsqrt3A = math.rsqrt %add3A_43 : vector<1024x1xf32>
    %mul3A = vector.broadcast %rsqrt3A : vector<1024x1xf32> to vector<1024x768xf32>
    %mul3A_44 = arith.mulf %sub3A_40, %mul3A : vector<1024x768xf32>
    %broadcast_in_dim3A_45 = vector.shape_cast %get3A_6 : vector<768xf32> to vector<1x768xf32>
    %mul3A_46 = vector.broadcast %broadcast_in_dim3A_45 : vector<1x768xf32> to vector<1024x768xf32>
    %mul3A_47 = arith.mulf %mul3A_44, %mul3A_46 : vector<1024x768xf32>
    %broadcast_in_dim3A_48 = vector.shape_cast %get3A_10 : vector<768xf32> to vector<1x768xf32>
    %add3A_49 = vector.broadcast %broadcast_in_dim3A_48 : vector<1x768xf32> to vector<1024x768xf32>
    %add3A_50 = arith.addf %mul3A_47, %add3A_49 : vector<1024x768xf32>
    %get3A_51 = arith.index_cast %arg0 : i32 to index
    %get3A_52 = arith.constant 0 : index
    %get3A_53 = vector.load %arg2[%get3A_51, %get3A_52] : memref<7x1024xi32, #tpu.memory_space<vmem>>, vector<1x1024xi32>
    %get3A_54 = arith.index_cast %arg0 : i32 to index
    %get3A_55 = arith.constant 0 : index
    %get3A_56 = vector.load %arg3[%get3A_54, %get3A_55] : memref<7x1024xi32, #tpu.memory_space<vmem>>, vector<1x1024xi32>
    %get3A_57 = arith.constant 0 : index
    %get3A_58 = arith.constant 0 : index
    %get3A_59 = vector.load %arg4[%get3A_57, %get3A_58] : memref<520x768xbf16, #tpu.memory_space<vmem>>, vector<520x768xbf16>
    %iota3A = tpu.iota {dimensions = array<i32: 0>} : vector<520x1024xi32>
    %eq3A = vector.broadcast %get3A_53 : vector<1x1024xi32> to vector<520x1024xi32>
    %eq3A_60 = arith.cmpi eq, %iota3A, %eq3A : vector<520x1024xi32>
    %add3A_61 = arith.constant 512 : i32
    %add3A_62 = vector.broadcast %add3A_61 : i32 to vector<1x1024xi32>
    %add3A_63 = arith.addi %get3A_56, %add3A_62 : vector<1x1024xi32>
    %eq3A_64 = vector.broadcast %add3A_63 : vector<1x1024xi32> to vector<520x1024xi32>
    %eq3A_65 = arith.cmpi eq, %iota3A, %eq3A_64 : vector<520x1024xi32>
    %or3A = arith.ori %eq3A_60, %eq3A_65 : vector<520x1024xi1>
    %convert_element_type3A = arith.extui %or3A : vector<520x1024xi1> to vector<520x1024xi32>
    %convert_element_type3A_66 = arith.sitofp %convert_element_type3A : vector<520x1024xi32> to vector<520x1024xf32>
    %convert_element_type3A_67 = arith.truncf %convert_element_type3A_66 : vector<520x1024xf32> to vector<520x1024xbf16>
    %dot_general3A_68 = arith.constant dense<0.000000e+00> : vector<1024x768xf32>
    %dot_general3A_69 = tpu.matmul %convert_element_type3A_67, %get3A_59, %dot_general3A_68 {dimension_numbers = #tpu.dot_dimension_numbers<[0], [0], [1], [1], [0, 1, 1, 1], [], []>, transpose_lhs_hint = false} : vector<520x1024xbf16>, vector<520x768xbf16>, vector<1024x768xf32> -> vector<1024x768xf32>
    %add3A_70 = arith.addf %add3A_50, %dot_general3A_69 : vector<1024x768xf32>
    %reduce_sum3A_71 = arith.constant dense<0.000000e+00> : vector<1024xf32>
    %reduce_sum3A_72 = vector.multi_reduction <add>, %add3A_70, %reduce_sum3A_71 [1] : vector<1024x768xf32> to vector<1024xf32>
    %broadcast_in_dim3A_73 = vector.shape_cast %reduce_sum3A_72 : vector<1024xf32> to vector<1024x1xf32>
    %div3A_74 = arith.constant 7.680000e+02 : f32
    %div3A_75 = vector.broadcast %div3A_74 : f32 to vector<1024x1xf32>
    %div3A_76 = arith.divf %broadcast_in_dim3A_73, %div3A_75 : vector<1024x1xf32>
    %sub3A_77 = vector.broadcast %div3A_76 : vector<1024x1xf32> to vector<1024x768xf32>
    %sub3A_78 = arith.subf %add3A_70, %sub3A_77 : vector<1024x768xf32>
    %integer_pow3A_79 = arith.mulf %sub3A_78, %sub3A_78 : vector<1024x768xf32>
    %reduce_sum3A_80 = arith.constant dense<0.000000e+00> : vector<1024xf32>
    %reduce_sum3A_81 = vector.multi_reduction <add>, %integer_pow3A_79, %reduce_sum3A_80 [1] : vector<1024x768xf32> to vector<1024xf32>
    %broadcast_in_dim3A_82 = vector.shape_cast %reduce_sum3A_81 : vector<1024xf32> to vector<1024x1xf32>
    %div3A_83 = arith.constant 7.680000e+02 : f32
    %div3A_84 = vector.broadcast %div3A_83 : f32 to vector<1024x1xf32>
    %div3A_85 = arith.divf %broadcast_in_dim3A_82, %div3A_84 : vector<1024x1xf32>
    %sub3A_86 = vector.broadcast %div3A_76 : vector<1024x1xf32> to vector<1024x768xf32>
    %sub3A_87 = arith.subf %add3A_70, %sub3A_86 : vector<1024x768xf32>
    %add3A_88 = arith.constant 9.99999996E-13 : f32
    %add3A_89 = vector.broadcast %add3A_88 : f32 to vector<1024x1xf32>
    %add3A_90 = arith.addf %div3A_85, %add3A_89 : vector<1024x1xf32>
    %rsqrt3A_91 = math.rsqrt %add3A_90 : vector<1024x1xf32>
    %mul3A_92 = vector.broadcast %rsqrt3A_91 : vector<1024x1xf32> to vector<1024x768xf32>
    %mul3A_93 = arith.mulf %sub3A_87, %mul3A_92 : vector<1024x768xf32>
    %broadcast_in_dim3A_94 = vector.shape_cast %get3A_14 : vector<768xf32> to vector<1x768xf32>
    %mul3A_95 = vector.broadcast %broadcast_in_dim3A_94 : vector<1x768xf32> to vector<1024x768xf32>
    %mul3A_96 = arith.mulf %mul3A_93, %mul3A_95 : vector<1024x768xf32>
    %broadcast_in_dim3A_97 = vector.shape_cast %get3A_18 : vector<768xf32> to vector<1x768xf32>
    %add3A_98 = vector.broadcast %broadcast_in_dim3A_97 : vector<1x768xf32> to vector<1024x768xf32>
    %add3A_99 = arith.addf %mul3A_96, %add3A_98 : vector<1024x768xf32>
    %reshape3A_100 = vector.shape_cast %add3A_99 : vector<1024x768xf32> to vector<16x64x768xf32>
    %swap3A = arith.constant 0 : index
    %swap3A_101 = arith.constant 0 : index
    %swap3A_102 = arith.constant 0 : index
    %swap3A_103 = vector.load %arg7[%swap3A, %swap3A_101, %swap3A_102] : memref<16x64x768xf32, #tpu.memory_space<vmem>>, vector<16x64x768xf32>
    tpu.vector_store %arg7[%swap3A, %swap3A_101, %swap3A_102], %reshape3A_100 {strides = array<i32>} : memref<16x64x768xf32, #tpu.memory_space<vmem>>, vector<16x64x768xf32>,
    return
  }
  func.func @transform_0(%arg0: i32) -> (i32, i32, i32) {
    %c0_i32 = arith.constant 0 : i32
    %c0_i32_0 = arith.constant 0 : i32
    %c0_i32_1 = arith.constant 0 : i32
    return %arg0, %c0_i32, %c0_i32_0 : i32, i32, i32
  }
  func.func @transform_1(%arg0: i32) -> (i32, i32) {
    %c0_i32 = arith.constant 0 : i32
    %c0_i32_0 = arith.constant 0 : i32
    %c0_i32_1 = arith.constant 0 : i32
    return %c0_i32, %c0_i32_0 : i32, i32
  }
  func.func @transform_2(%arg0: i32) -> (i32, i32) {
    %c0_i32 = arith.constant 0 : i32
    %c0_i32_0 = arith.constant 0 : i32
    %c0_i32_1 = arith.constant 0 : i32
    return %c0_i32, %c0_i32_0 : i32, i32
  }
  func.func @transform_3(%arg0: i32) -> (i32, i32) {
    %c0_i32 = arith.constant 0 : i32
    %c0_i32_0 = arith.constant 0 : i32
    %c0_i32_1 = arith.constant 0 : i32
    return %c0_i32, %c0_i32_0 : i32, i32
  }
  func.func @transform_4(%arg0: i32) -> (i32, i32) {
    %c0_i32 = arith.constant 0 : i32
    %c0_i32_0 = arith.constant 0 : i32
    %c0_i32_1 = arith.constant 0 : i32
    return %c0_i32, %c0_i32_0 : i32, i32
  }
  func.func @transform_5(%arg0: i32) -> (i32, i32) {
    %c0_i32 = arith.constant 0 : i32
    %c0_i32_0 = arith.constant 0 : i32
    %c0_i32_1 = arith.constant 0 : i32
    return %c0_i32, %c0_i32_0 : i32, i32
  }
  func.func @transform_6(%arg0: i32) -> (i32, i32, i32) {
    %add3A = arith.constant 32 : i32
    %add3A_0 = arith.addi %arg0, %add3A : i32
    %c0_i32 = arith.constant 0 : i32
    %c0_i32_1 = arith.constant 0 : i32
    %c0_i32_2 = arith.constant 0 : i32
    return %add3A_0, %c0_i32, %c0_i32_1 : i32, i32, i32
  }
}

module attributes {stable_mosaic.version = 14 : i64} {
  func.func @_tc_txt_body(%arg0: i32, %arg1: memref<612x64x768xf32, #tpu.memory_space<hbm>>, %arg2: memref<32x64x768xf32, #tpu.memory_space<vmem>>, %arg3: memref<16x2048xi32, #tpu.memory_space<vmem>>, %arg4: memref<16x2048xi32, #tpu.memory_space<vmem>>, %arg5: memref<520x768xbf16, #tpu.memory_space<vmem>>, %arg6: memref<8x768xf32, #tpu.memory_space<vmem>>, %arg7: memref<32x64x768xf32, #tpu.memory_space<vmem>>) attributes {dimension_semantics = [#tpu.dimension_semantics<arbitrary>], iteration_bounds = array<i64: 8>, scalar_prefetch = 0 : i64, scratch_operands = 0 : i64, tpu.core_type = #tpu.core_type<tc>, window_params = [{}, {transform_indices = @transform_1, window_bounds = array<i64: 32, 64, 768>}, {pipeline_mode = #tpu.pipeline_mode<synchronous>, transform_indices = @transform_2, window_bounds = array<i64: 16, 2048>}, {pipeline_mode = #tpu.pipeline_mode<synchronous>, transform_indices = @transform_3, window_bounds = array<i64: 16, 2048>}, {pipeline_mode = #tpu.pipeline_mode<synchronous>, transform_indices = @transform_4, window_bounds = array<i64: 520, 768>}, {pipeline_mode = #tpu.pipeline_mode<synchronous>, transform_indices = @transform_5, window_bounds = array<i64: 8, 768>}, {transform_indices = @transform_6, window_bounds = array<i64: 32, 64, 768>}]} {
    %get3A = arith.constant 0 : index
    %get3A_0 = arith.constant 0 : index
    %get3A_1 = vector.load %arg6[%get3A, %get3A_0] : memref<8x768xf32, #tpu.memory_space<vmem>>, vector<1x768xf32>
    %get3A_2 = vector.shape_cast %get3A_1 : vector<1x768xf32> to vector<768xf32>
    %get3A_3 = arith.constant 1 : index
    %get3A_4 = arith.constant 0 : index
    %get3A_5 = vector.load %arg6[%get3A_3, %get3A_4] : memref<8x768xf32, #tpu.memory_space<vmem>>, vector<1x768xf32>
    %get3A_6 = vector.shape_cast %get3A_5 : vector<1x768xf32> to vector<768xf32>
    %add3A = arith.constant 8 : i32
    %add3A_7 = arith.addi %arg0, %add3A : i32
    %get3A_8 = arith.index_cast %add3A_7 : i32 to index
    %get3A_9 = arith.constant 0 : index
    %get3A_10 = vector.load %arg3[%get3A_8, %get3A_9] : memref<16x2048xi32, #tpu.memory_space<vmem>>, vector<1x2048xi32>
    %add3A_11 = arith.constant 8 : i32
    %add3A_12 = arith.addi %arg0, %add3A_11 : i32
    %get3A_13 = arith.index_cast %add3A_12 : i32 to index
    %get3A_14 = arith.constant 0 : index
    %get3A_15 = vector.load %arg4[%get3A_13, %get3A_14] : memref<16x2048xi32, #tpu.memory_space<vmem>>, vector<1x2048xi32>
    %get3A_16 = arith.constant 0 : index
    %get3A_17 = arith.constant 0 : index
    %get3A_18 = vector.load %arg5[%get3A_16, %get3A_17] : memref<520x768xbf16, #tpu.memory_space<vmem>>, vector<520x768xbf16>
    %iota3A = tpu.iota {dimensions = array<i32: 0>} : vector<520x2048xi32>
    %eq3A = vector.broadcast %get3A_10 : vector<1x2048xi32> to vector<520x2048xi32>
    %eq3A_19 = arith.cmpi eq, %iota3A, %eq3A : vector<520x2048xi32>
    %add3A_20 = arith.constant 512 : i32
    %add3A_21 = vector.broadcast %add3A_20 : i32 to vector<1x2048xi32>
    %add3A_22 = arith.addi %get3A_15, %add3A_21 : vector<1x2048xi32>
    %eq3A_23 = vector.broadcast %add3A_22 : vector<1x2048xi32> to vector<520x2048xi32>
    %eq3A_24 = arith.cmpi eq, %iota3A, %eq3A_23 : vector<520x2048xi32>
    %or3A = arith.ori %eq3A_19, %eq3A_24 : vector<520x2048xi1>
    %convert_element_type3A = arith.extui %or3A : vector<520x2048xi1> to vector<520x2048xi32>
    %convert_element_type3A_25 = arith.sitofp %convert_element_type3A : vector<520x2048xi32> to vector<520x2048xf32>
    %convert_element_type3A_26 = arith.truncf %convert_element_type3A_25 : vector<520x2048xf32> to vector<520x2048xbf16>
    %dot_general3A = arith.constant dense<0.000000e+00> : vector<2048x768xf32>
    %dot_general3A_27 = tpu.matmul %convert_element_type3A_26, %get3A_18, %dot_general3A {dimension_numbers = #tpu.dot_dimension_numbers<[0], [0], [1], [1], [0, 1, 1, 1], [], []>, transpose_lhs_hint = false} : vector<520x2048xbf16>, vector<520x768xbf16>, vector<2048x768xf32> -> vector<2048x768xf32>
    %get3A_28 = arith.constant 0 : index
    %get3A_29 = arith.constant 0 : index
    %get3A_30 = arith.constant 0 : index
    %get3A_31 = vector.load %arg2[%get3A_28, %get3A_29, %get3A_30] : memref<32x64x768xf32, #tpu.memory_space<vmem>>, vector<32x64x768xf32>
    %reshape3A = vector.shape_cast %dot_general3A_27 : vector<2048x768xf32> to vector<32x64x768xf32>
    %add3A_32 = arith.addf %get3A_31, %reshape3A : vector<32x64x768xf32>
    %reduce_sum3A = arith.constant dense<0.000000e+00> : vector<32x64xf32>
    %reduce_sum3A_33 = vector.multi_reduction <add>, %add3A_32, %reduce_sum3A [2] : vector<32x64x768xf32> to vector<32x64xf32>
    %broadcast_in_dim3A = vector.shape_cast %reduce_sum3A_33 : vector<32x64xf32> to vector<32x64x1xf32>
    %div3A = arith.constant 7.680000e+02 : f32
    %div3A_34 = vector.broadcast %div3A : f32 to vector<32x64x1xf32>
    %div3A_35 = arith.divf %broadcast_in_dim3A, %div3A_34 : vector<32x64x1xf32>
    %sub3A = vector.broadcast %div3A_35 : vector<32x64x1xf32> to vector<32x64x768xf32>
    %sub3A_36 = arith.subf %add3A_32, %sub3A : vector<32x64x768xf32>
    %integer_pow3A = arith.mulf %sub3A_36, %sub3A_36 : vector<32x64x768xf32>
    %reduce_sum3A_37 = arith.constant dense<0.000000e+00> : vector<32x64xf32>
    %reduce_sum3A_38 = vector.multi_reduction <add>, %integer_pow3A, %reduce_sum3A_37 [2] : vector<32x64x768xf32> to vector<32x64xf32>
    %broadcast_in_dim3A_39 = vector.shape_cast %reduce_sum3A_38 : vector<32x64xf32> to vector<32x64x1xf32>
    %div3A_40 = arith.constant 7.680000e+02 : f32
    %div3A_41 = vector.broadcast %div3A_40 : f32 to vector<32x64x1xf32>
    %div3A_42 = arith.divf %broadcast_in_dim3A_39, %div3A_41 : vector<32x64x1xf32>
    %sub3A_43 = vector.broadcast %div3A_35 : vector<32x64x1xf32> to vector<32x64x768xf32>
    %sub3A_44 = arith.subf %add3A_32, %sub3A_43 : vector<32x64x768xf32>
    %add3A_45 = arith.constant 9.99999996E-13 : f32
    %add3A_46 = vector.broadcast %add3A_45 : f32 to vector<32x64x1xf32>
    %add3A_47 = arith.addf %div3A_42, %add3A_46 : vector<32x64x1xf32>
    %rsqrt3A = math.rsqrt %add3A_47 : vector<32x64x1xf32>
    %mul3A = vector.broadcast %rsqrt3A : vector<32x64x1xf32> to vector<32x64x768xf32>
    %mul3A_48 = arith.mulf %sub3A_44, %mul3A : vector<32x64x768xf32>
    %broadcast_in_dim3A_49 = vector.shape_cast %get3A_2 : vector<768xf32> to vector<1x1x768xf32>
    %mul3A_50 = vector.broadcast %broadcast_in_dim3A_49 : vector<1x1x768xf32> to vector<32x64x768xf32>
    %mul3A_51 = arith.mulf %mul3A_48, %mul3A_50 : vector<32x64x768xf32>
    %broadcast_in_dim3A_52 = vector.shape_cast %get3A_6 : vector<768xf32> to vector<1x1x768xf32>
    %add3A_53 = vector.broadcast %broadcast_in_dim3A_52 : vector<1x1x768xf32> to vector<32x64x768xf32>
    %add3A_54 = arith.addf %mul3A_51, %add3A_53 : vector<32x64x768xf32>
    %swap3A = arith.constant 0 : index
    %swap3A_55 = arith.constant 0 : index
    %swap3A_56 = arith.constant 0 : index
    %swap3A_57 = vector.load %arg7[%swap3A, %swap3A_55, %swap3A_56] : memref<32x64x768xf32, #tpu.memory_space<vmem>>, vector<32x64x768xf32>
    tpu.vector_store %arg7[%swap3A, %swap3A_55, %swap3A_56], %add3A_54 {strides = array<i32>} : memref<32x64x768xf32, #tpu.memory_space<vmem>>, vector<32x64x768xf32>,
    return
  }
  func.func @transform_1(%arg0: i32) -> (i32, i32, i32) {
    %c0_i32 = arith.constant 0 : i32
    %c0_i32_0 = arith.constant 0 : i32
    %c0_i32_1 = arith.constant 0 : i32
    return %arg0, %c0_i32, %c0_i32_0 : i32, i32, i32
  }
  func.func @transform_2(%arg0: i32) -> (i32, i32) {
    %c0_i32 = arith.constant 0 : i32
    %c0_i32_0 = arith.constant 0 : i32
    %c0_i32_1 = arith.constant 0 : i32
    return %c0_i32, %c0_i32_0 : i32, i32
  }
  func.func @transform_3(%arg0: i32) -> (i32, i32) {
    %c0_i32 = arith.constant 0 : i32
    %c0_i32_0 = arith.constant 0 : i32
    %c0_i32_1 = arith.constant 0 : i32
    return %c0_i32, %c0_i32_0 : i32, i32
  }
  func.func @transform_4(%arg0: i32) -> (i32, i32) {
    %c0_i32 = arith.constant 0 : i32
    %c0_i32_0 = arith.constant 0 : i32
    %c0_i32_1 = arith.constant 0 : i32
    return %c0_i32, %c0_i32_0 : i32, i32
  }
  func.func @transform_5(%arg0: i32) -> (i32, i32) {
    %c0_i32 = arith.constant 0 : i32
    %c0_i32_0 = arith.constant 0 : i32
    %c0_i32_1 = arith.constant 0 : i32
    return %c0_i32, %c0_i32_0 : i32, i32
  }
  func.func @transform_6(%arg0: i32) -> (i32, i32, i32) {
    %add3A = arith.constant 8 : i32
    %add3A_0 = arith.addi %arg0, %add3A : i32
    %c0_i32 = arith.constant 0 : i32
    %c0_i32_1 = arith.constant 0 : i32
    %c0_i32_2 = arith.constant 0 : i32
    return %add3A_0, %c0_i32, %c0_i32_1 : i32, i32, i32
  }
}

module attributes {stable_mosaic.version = 14 : i64} {
  func.func @_tc_txt_body(%arg0: i32, %arg1: memref<612x64x768xf32, #tpu.memory_space<hbm>>, %arg2: memref<32x64x768xf32, #tpu.memory_space<vmem>>, %arg3: memref<16x2048xi32, #tpu.memory_space<vmem>>, %arg4: memref<16x2048xi32, #tpu.memory_space<vmem>>, %arg5: memref<520x768xbf16, #tpu.memory_space<vmem>>, %arg6: memref<8x768xf32, #tpu.memory_space<vmem>>, %arg7: memref<32x64x768xf32, #tpu.memory_space<vmem>>) attributes {dimension_semantics = [#tpu.dimension_semantics<arbitrary>], iteration_bounds = array<i64: 8>, scalar_prefetch = 0 : i64, scratch_operands = 0 : i64, tpu.core_type = #tpu.core_type<tc>, window_params = [{}, {transform_indices = @transform_1, window_bounds = array<i64: 32, 64, 768>}, {pipeline_mode = #tpu.pipeline_mode<synchronous>, transform_indices = @transform_2, window_bounds = array<i64: 16, 2048>}, {pipeline_mode = #tpu.pipeline_mode<synchronous>, transform_indices = @transform_3, window_bounds = array<i64: 16, 2048>}, {pipeline_mode = #tpu.pipeline_mode<synchronous>, transform_indices = @transform_4, window_bounds = array<i64: 520, 768>}, {pipeline_mode = #tpu.pipeline_mode<synchronous>, transform_indices = @transform_5, window_bounds = array<i64: 8, 768>}, {transform_indices = @transform_6, window_bounds = array<i64: 32, 64, 768>}]} {
    %get3A = arith.constant 0 : index
    %get3A_0 = arith.constant 0 : index
    %get3A_1 = vector.load %arg6[%get3A, %get3A_0] : memref<8x768xf32, #tpu.memory_space<vmem>>, vector<1x768xf32>
    %get3A_2 = vector.shape_cast %get3A_1 : vector<1x768xf32> to vector<768xf32>
    %get3A_3 = arith.constant 1 : index
    %get3A_4 = arith.constant 0 : index
    %get3A_5 = vector.load %arg6[%get3A_3, %get3A_4] : memref<8x768xf32, #tpu.memory_space<vmem>>, vector<1x768xf32>
    %get3A_6 = vector.shape_cast %get3A_5 : vector<1x768xf32> to vector<768xf32>
    %add3A = arith.constant 0 : i32
    %add3A_7 = arith.addi %arg0, %add3A : i32
    %get3A_8 = arith.index_cast %add3A_7 : i32 to index
    %get3A_9 = arith.constant 0 : index
    %get3A_10 = vector.load %arg3[%get3A_8, %get3A_9] : memref<16x2048xi32, #tpu.memory_space<vmem>>, vector<1x2048xi32>
    %add3A_11 = arith.constant 0 : i32
    %add3A_12 = arith.addi %arg0, %add3A_11 : i32
    %get3A_13 = arith.index_cast %add3A_12 : i32 to index
    %get3A_14 = arith.constant 0 : index
    %get3A_15 = vector.load %arg4[%get3A_13, %get3A_14] : memref<16x2048xi32, #tpu.memory_space<vmem>>, vector<1x2048xi32>
    %get3A_16 = arith.constant 0 : index
    %get3A_17 = arith.constant 0 : index
    %get3A_18 = vector.load %arg5[%get3A_16, %get3A_17] : memref<520x768xbf16, #tpu.memory_space<vmem>>, vector<520x768xbf16>
    %iota3A = tpu.iota {dimensions = array<i32: 0>} : vector<520x2048xi32>
    %eq3A = vector.broadcast %get3A_10 : vector<1x2048xi32> to vector<520x2048xi32>
    %eq3A_19 = arith.cmpi eq, %iota3A, %eq3A : vector<520x2048xi32>
    %add3A_20 = arith.constant 512 : i32
    %add3A_21 = vector.broadcast %add3A_20 : i32 to vector<1x2048xi32>
    %add3A_22 = arith.addi %get3A_15, %add3A_21 : vector<1x2048xi32>
    %eq3A_23 = vector.broadcast %add3A_22 : vector<1x2048xi32> to vector<520x2048xi32>
    %eq3A_24 = arith.cmpi eq, %iota3A, %eq3A_23 : vector<520x2048xi32>
    %or3A = arith.ori %eq3A_19, %eq3A_24 : vector<520x2048xi1>
    %convert_element_type3A = arith.extui %or3A : vector<520x2048xi1> to vector<520x2048xi32>
    %convert_element_type3A_25 = arith.sitofp %convert_element_type3A : vector<520x2048xi32> to vector<520x2048xf32>
    %convert_element_type3A_26 = arith.truncf %convert_element_type3A_25 : vector<520x2048xf32> to vector<520x2048xbf16>
    %dot_general3A = arith.constant dense<0.000000e+00> : vector<2048x768xf32>
    %dot_general3A_27 = tpu.matmul %convert_element_type3A_26, %get3A_18, %dot_general3A {dimension_numbers = #tpu.dot_dimension_numbers<[0], [0], [1], [1], [0, 1, 1, 1], [], []>, transpose_lhs_hint = false} : vector<520x2048xbf16>, vector<520x768xbf16>, vector<2048x768xf32> -> vector<2048x768xf32>
    %get3A_28 = arith.constant 0 : index
    %get3A_29 = arith.constant 0 : index
    %get3A_30 = arith.constant 0 : index
    %get3A_31 = vector.load %arg2[%get3A_28, %get3A_29, %get3A_30] : memref<32x64x768xf32, #tpu.memory_space<vmem>>, vector<32x64x768xf32>
    %reshape3A = vector.shape_cast %dot_general3A_27 : vector<2048x768xf32> to vector<32x64x768xf32>
    %add3A_32 = arith.addf %get3A_31, %reshape3A : vector<32x64x768xf32>
    %reduce_sum3A = arith.constant dense<0.000000e+00> : vector<32x64xf32>
    %reduce_sum3A_33 = vector.multi_reduction <add>, %add3A_32, %reduce_sum3A [2] : vector<32x64x768xf32> to vector<32x64xf32>
    %broadcast_in_dim3A = vector.shape_cast %reduce_sum3A_33 : vector<32x64xf32> to vector<32x64x1xf32>
    %div3A = arith.constant 7.680000e+02 : f32
    %div3A_34 = vector.broadcast %div3A : f32 to vector<32x64x1xf32>
    %div3A_35 = arith.divf %broadcast_in_dim3A, %div3A_34 : vector<32x64x1xf32>
    %sub3A = vector.broadcast %div3A_35 : vector<32x64x1xf32> to vector<32x64x768xf32>
    %sub3A_36 = arith.subf %add3A_32, %sub3A : vector<32x64x768xf32>
    %integer_pow3A = arith.mulf %sub3A_36, %sub3A_36 : vector<32x64x768xf32>
    %reduce_sum3A_37 = arith.constant dense<0.000000e+00> : vector<32x64xf32>
    %reduce_sum3A_38 = vector.multi_reduction <add>, %integer_pow3A, %reduce_sum3A_37 [2] : vector<32x64x768xf32> to vector<32x64xf32>
    %broadcast_in_dim3A_39 = vector.shape_cast %reduce_sum3A_38 : vector<32x64xf32> to vector<32x64x1xf32>
    %div3A_40 = arith.constant 7.680000e+02 : f32
    %div3A_41 = vector.broadcast %div3A_40 : f32 to vector<32x64x1xf32>
    %div3A_42 = arith.divf %broadcast_in_dim3A_39, %div3A_41 : vector<32x64x1xf32>
    %sub3A_43 = vector.broadcast %div3A_35 : vector<32x64x1xf32> to vector<32x64x768xf32>
    %sub3A_44 = arith.subf %add3A_32, %sub3A_43 : vector<32x64x768xf32>
    %add3A_45 = arith.constant 9.99999996E-13 : f32
    %add3A_46 = vector.broadcast %add3A_45 : f32 to vector<32x64x1xf32>
    %add3A_47 = arith.addf %div3A_42, %add3A_46 : vector<32x64x1xf32>
    %rsqrt3A = math.rsqrt %add3A_47 : vector<32x64x1xf32>
    %mul3A = vector.broadcast %rsqrt3A : vector<32x64x1xf32> to vector<32x64x768xf32>
    %mul3A_48 = arith.mulf %sub3A_44, %mul3A : vector<32x64x768xf32>
    %broadcast_in_dim3A_49 = vector.shape_cast %get3A_2 : vector<768xf32> to vector<1x1x768xf32>
    %mul3A_50 = vector.broadcast %broadcast_in_dim3A_49 : vector<1x1x768xf32> to vector<32x64x768xf32>
    %mul3A_51 = arith.mulf %mul3A_48, %mul3A_50 : vector<32x64x768xf32>
    %broadcast_in_dim3A_52 = vector.shape_cast %get3A_6 : vector<768xf32> to vector<1x1x768xf32>
    %add3A_53 = vector.broadcast %broadcast_in_dim3A_52 : vector<1x1x768xf32> to vector<32x64x768xf32>
    %add3A_54 = arith.addf %mul3A_51, %add3A_53 : vector<32x64x768xf32>
    %swap3A = arith.constant 0 : index
    %swap3A_55 = arith.constant 0 : index
    %swap3A_56 = arith.constant 0 : index
    %swap3A_57 = vector.load %arg7[%swap3A, %swap3A_55, %swap3A_56] : memref<32x64x768xf32, #tpu.memory_space<vmem>>, vector<32x64x768xf32>
    tpu.vector_store %arg7[%swap3A, %swap3A_55, %swap3A_56], %add3A_54 {strides = array<i32>} : memref<32x64x768xf32, #tpu.memory_space<vmem>>, vector<32x64x768xf32>,
    return
  }
  func.func @transform_1(%arg0: i32) -> (i32, i32, i32) {
    %c0_i32 = arith.constant 0 : i32
    %c0_i32_0 = arith.constant 0 : i32
    %c0_i32_1 = arith.constant 0 : i32
    return %arg0, %c0_i32, %c0_i32_0 : i32, i32, i32
  }
  func.func @transform_2(%arg0: i32) -> (i32, i32) {
    %c0_i32 = arith.constant 0 : i32
    %c0_i32_0 = arith.constant 0 : i32
    %c0_i32_1 = arith.constant 0 : i32
    return %c0_i32, %c0_i32_0 : i32, i32
  }
  func.func @transform_3(%arg0: i32) -> (i32, i32) {
    %c0_i32 = arith.constant 0 : i32
    %c0_i32_0 = arith.constant 0 : i32
    %c0_i32_1 = arith.constant 0 : i32
    return %c0_i32, %c0_i32_0 : i32, i32
  }
  func.func @transform_4(%arg0: i32) -> (i32, i32) {
    %c0_i32 = arith.constant 0 : i32
    %c0_i32_0 = arith.constant 0 : i32
    %c0_i32_1 = arith.constant 0 : i32
    return %c0_i32, %c0_i32_0 : i32, i32
  }
  func.func @transform_5(%arg0: i32) -> (i32, i32) {
    %c0_i32 = arith.constant 0 : i32
    %c0_i32_0 = arith.constant 0 : i32
    %c0_i32_1 = arith.constant 0 : i32
    return %c0_i32, %c0_i32_0 : i32, i32
  }
  func.func @transform_6(%arg0: i32) -> (i32, i32, i32) {
    %add3A = arith.constant 0 : i32
    %add3A_0 = arith.addi %arg0, %add3A : i32
    %c0_i32 = arith.constant 0 : i32
    %c0_i32_1 = arith.constant 0 : i32
    %c0_i32_2 = arith.constant 0 : i32
    return %add3A_0, %c0_i32, %c0_i32_1 : i32, i32, i32
  }
}

</mosaic_0001>

<sc_bundles>
// kernel: kernel.10.cloned.1.call-start
scs
__scs_entry_jumppad:
0x0: {  	(pc) =	sbr.rel $0x88, $3  }
0x1: {  	(tag) =	ssettag $0x0;
	lr =	simm.s32 $0x1  }
0x2: {  	[smem:$0x3F90] =	sst lr;
	_ =	strace $0xD0000000  }
0x3: {  	_ = 	snop  }
0x4: {  	_ = 	snop  }
0x5: {  	_ = 	snop  }
0x6: {  	_ = 	snop  }
0x7: {  	_ = 	snop  }
__scs_overlays_trampoline_lowered:
0x8: {  	[smem:$0x3F9F] =	sst s0  }
0x9: {  	[smem:$0x3FA0] =	sst s1  }
0xa: {  	[smem:$0x3FA1] =	sst s2  }
0xb: {  	[smem:$0x3FA2] =	sst s3  }
0xc: {  	[smem:$0x3FA3] =	sst s4  }
0xd: {  	[smem:$0x3FA4] =	sst s5  }
0xe: {  	[smem:$0x3FA5] =	sst s6  }
0xf: {  	[smem:$0x3FA6] =	sst s7  }
0x10: {  	[smem:$0x3FA7] =	sst s8  }
0x11: {  	[smem:$0x3FA8] =	sst s9;
	s0 =	simm.s32 @!p0 $0x0  }
0x12: {  	s1 =	sld [smem:$0x3F8E];
	s0 =	simm.s32 @p0 $0x1  }
0x13: {  	[smem:$0x3FA9] =	sst s0;
	s0 =	simm.s32 @!p1 $0x0  }
0x14: {  	s2 =	sld [smem:$0x3F8D];
	s0 =	simm.s32 @p1 $0x1  }
0x15: {  	[smem:$0x3FAA] =	sst s0;
	s0 =	simm.s32 @!p2 $0x0  }
0x16: {  	s3 =	sld [smem:$0x3FDB];
	s0 =	simm.s32 @p2 $0x1  }
0x17: {  	s4 =	simm.s32 $0x1BF5;
	[smem:$0x3FAC] =	sst s0  }
0x18: {  	s0 =	sld [smem:$0x3F8F];
	_ =	swait.ge [sflag:s4], $0x0  }
0x19: {  	s7 =	sld [smem:$0x3F90]  }
0x1a: {  	s8 =	sadd.s32 $0xFFFFE003, lr  }
0x1b: {  	s9 =	sadd.s32 $0xFFFFFEF7, lr;
	s5 =	simm.s32 $0xFFFFFFFF;
	p2 =	slt.u32 s8, $0xFFFFF086  }
0x1c: {  	p1 =	slt.u32 s9, $0xF7A;
	s5 =	simm.s32 @!p2 $0x0  }
0x1d: {  	s5 =	simm.s32 @p1 $0x1;
	p0 =	seq.s32 s7, s2  }
0x1e: {  	s7 =	smul.u32 @!p0 $0xF7A, s2;
	p2 =	seq.s32 @!p0 s5, $0x0  }
0x1f: {  	s9 =	smul.u32 $0xF7A, s1;
	s8 =	simm.s32 @!p0 $0x1BF5;
	p2 =	por !p2, p0  }
0x20: {  	[sflag:s8] =	ssyncset.s32 @!p0 $0xFFFFF086;
	s6 =	sadd.s32 @!p0 s3, s7;
	s7 =	simm.s32 @!p0 $0x108  }
0x21: {  	s3 =	sadd.s32 s3, s9;
	s6 =	sadd.s32 @!p0 $0x88, s6;
	s7 =	simm.s32 @p2 $0x1082  }
0x22: {  	[simem:s7], [sflag:s8] =	dma.local @!p0 [hbm:s6], $0xF7A  }
0x23: {  	s9 =	sor.u32 $0xD0000000, s2;
	s6 =	simm.s32 $0x108;
	_ =	swait.ge @!p0 [sflag:s8], $0x0  }
0x24: {  	s3 =	sadd.s32 $0x88, s3;
	s6 =	simm.s32 @!p1 $0x1082;
	[sflag:s4] =	ssyncset.s32 $0xFFFFF086  }
0x25: {  	[simem:s6], [sflag:s4] =	dma.local [hbm:s3], $0xF7A  }
0x26: {  	[smem:$0x3F90] =	sst s1;
	(tag) =	ssettag s2;
	_ =	strace s9  }
0x27: {  	s1 =	sld [smem:$0x3FA0]  }
0x28: {  	s2 =	sld [smem:$0x3FA1]  }
0x29: {  	s4 =	sld [smem:$0x3FA3]  }
0x2a: {  	p0 =	seq.s32 s5, $0x0;
	s5 =	sld [smem:$0x3FA4]  }
0x2b: {  	s6 =	sld [smem:$0x3FA5]  }
0x2c: {  	s7 =	sld [smem:$0x3FA6]  }
0x2d: {  	s3 =	simm.s32 $0x108;
	s8 =	sld [smem:$0x3FA7]  }
0x2e: {  	s3 =	simm.s32 @!p0 $0x1082;
	s9 =	sld [smem:$0x3FA8]  }
0x2f: {  	lr =	sadd.s32 s0, s3;
	s0 =	sld [smem:$0x3F9F]  }
0x30: {  	s3 =	sld [smem:$0x3FA2]  }
0x31: {  	[smem:$0x3FAB] =	sst s10  }
0x32: {  	s10 =	sld [smem:$0x3FA9];
	_ =	sdelay $0x3  }
0x33: {  	p0 =	seq.s32 s10, $0x1;
	s10 =	sld [smem:$0x3FAB];
	_ =	sdelay $0x3  }
0x34: {  	[smem:$0x3FAB] =	sst s10  }
0x35: {  	s10 =	sld [smem:$0x3FAA];
	_ =	sdelay $0x3  }
0x36: {  	p1 =	seq.s32 s10, $0x1;
	s10 =	sld [smem:$0x3FAB];
	_ =	sdelay $0x3  }
0x37: {  	[smem:$0x3FAB] =	sst s10  }
0x38: {  	s10 =	sld [smem:$0x3FAC]  }
0x39: {  	_ = 	snop;
	(pc) =	sbr.ind lr, $3  }
0x3a: {  	_ = 	snop  }
0x3b: {  	_ = 	snop  }
0x3c: {  	p2 =	seq.s32 s10, $0x1;
	s10 =	sld [smem:$0x3FAB]  }
0x3d: {  	_ =	shalt  }
0x3e: {  	_ =	shalt  }
0x3f: {  	_ =	shalt  }
0x40: {  	_ =	shalt  }
0x41: {  	_ =	shalt  }
0x42: {  	_ =	shalt  }
0x43: {  	_ =	shalt  }
0x44: {  	_ =	shalt  }
0x45: {  	_ =	shalt  }
0x46: {  	_ =	shalt  }
0x47: {  	_ =	shalt  }
0x48: {  	_ =	shalt  }
0x49: {  	_ =	shalt  }
0x4a: {  	_ =	shalt  }
0x4b: {  	_ =	shalt  }
0x4c: {  	_ =	shalt  }
0x4d: {  	_ =	shalt  }
0x4e: {  	_ =	shalt  }
0x4f: {  	_ =	shalt  }
0x50: {  	_ =	shalt  }
0x51: {  	_ =	shalt  }
0x52: {  	_ =	shalt  }
0x53: {  	_ =	shalt  }
0x54: {  	_ =	shalt  }
0x55: {  	_ =	shalt  }
0x56: {  	_ =	shalt  }
0x57: {  	_ =	shalt  }
0x58: {  	_ =	shalt  }
0x59: {  	_ =	shalt  }
0x5a: {  	_ =	shalt  }
0x5b: {  	_ =	shalt  }
0x5c: {  	_ =	shalt  }
0x5d: {  	_ =	shalt  }
0x5e: {  	_ =	shalt  }
0x5f: {  	_ =	shalt  }
0x60: {  	_ =	shalt  }
0x61: {  	_ =	shalt  }
0x62: {  	_ =	shalt  }
0x63: {  	_ =	shalt  }
0x64: {  	_ =	shalt  }
0x65: {  	_ =	shalt  }
0x66: {  	_ =	shalt  }
0x67: {  	_ =	shalt  }
0x68: {  	_ =	shalt  }
0x69: {  	_ =	shalt  }
0x6a: {  	_ =	shalt  }
0x6b: {  	_ =	shalt  }
0x6c: {  	_ =	shalt  }
0x6d: {  	_ =	shalt  }
0x6e: {  	_ =	shalt  }
0x6f: {  	_ =	shalt  }
0x70: {  	_ =	shalt  }
0x71: {  	_ =	shalt  }
0x72: {  	_ =	shalt  }
0x73: {  	_ =	shalt  }
0x74: {  	_ =	shalt  }
0x75: {  	_ =	shalt  }
0x76: {  	_ =	shalt  }
0x77: {  	_ =	shalt  }
0x78: {  	_ =	shalt  }
0x79: {  	_ =	shalt  }
0x7a: {  	_ =	shalt  }
0x7b: {  	_ =	shalt  }
0x7c: {  	_ =	shalt  }
0x7d: {  	_ =	shalt  }
0x7e: {  	_ =	shalt  }
0x7f: {  	_ =	shalt  }
0x80: {  	_ =	shalt  }
0x81: {  	_ =	shalt  }
0x82: {  	_ =	shalt  }
0x83: {  	_ =	shalt  }
0x84: {  	_ =	shalt  }
0x85: {  	_ =	shalt  }
0x86: {  	_ =	shalt  }
0x87: {  	_ =	shalt  }
.Lfunc_end0:
.L_simem_size_0:
called_computation.1_lowered:
.L_overlay_start_0:
0x88: {  	s2 =	sld [smem:$0x3FD9]  }
0x89: {  	s3 =	sld [smem:$0x3FFE];
	_ =	sdelay $0x1  }
0x8a: {  	s1 =	srdreg.scid  }
0x8b: {  	s0 =	sand.u32 $0x1, s1  }
0x8c: {  	s17 =	sshll.u32 s0, $0xA;
	s2 =	sadd.s32 s3, s2  }
0x8d: {  	s2 =	sadd.s32 s2, s17  }
0x8e: {  	[smem:$0x3FB7] =	sst s2  }
0x8f: {  	_ = 	snop  }
0x90: {  	s18 =	sld [smem:$0x3FC3];
	(tm) =	ssettm $0x1  }
0x91: {  	s19 =	sld [smem:$0x3FFB];
	_ =	sdelay $0x3  }
0x92: {  	_ =	strace s19  }
0x93: {  	s2 =	sld [smem:$0x3FFC];
	_ =	sdelay $0x3  }
0x94: {  	_ =	strace s2  }
0x95: {  	s2 =	sld [smem:$0x3FFD];
	_ =	sdelay $0x3  }
0x96: {  	_ =	strace s2  }
0x97: {  	_ =	strace $0x8FFFFFFF  }
0x98: {  	s20 =	sld [smem:$0x3FDB];
	_ =	sdelay $0x1  }
0x99: {  	s4 =	simm.s32 $_scs_section_size  }
0x9a: {  	s5 =	simm.s32 $_size__tile_overlayer_lowered;
	s6 =	simm.s32 $_tile_overlayer_lowered  }
0x9b: {  	s7 =	simm.s32 $0x1BFF;
	s21 =	sshll.u32 s6, $0x1;
	s4 =	sadd.s32 s4, s20  }
0x9c: {  	s22 =	simm.s32 $0x0;
	s5 =	sshll.u32 s5, $0x1;
	s6 =	sadd.s32 s21, s4  }
0x9d: {  	[timem:s22], [sflag:s7] =	dma.local [hbm:s6], s5  }
0x9e: {  	_ =	swait.ge [sflag:s7], s5  }
0x9f: {  	s5 =	ssub.s32 $0x0, s5;
	[sflag:s7] =	ssyncset.done $0x0  }
0xa0: {  	[sflag:s7] =	ssyncadd.s32 s5;
	_ =	sdelay $0x1  }
0xa1: {  	s23 =	simm.s32 $0x1B8B  }
0xa2: {  	_ =	swait.ge [sflag:s23], $0x1  }
0xa3: {  	[sflag:s23] =	ssyncset.done $0x0  }
0xa4: {  	[sflag:s23] =	ssyncadd.s32 $0xFFFFFFFF  }
0xa5: {  	s5 =	sld [smem:$0x0]  }
0xa6: {  	s6 =	sand.u32 $0xFFFFFFFE, s1  }
0xa7: {  	p0 =	sne.s32 s1, s6  }
0xa8: {  	s6 =	sshll.u32 @p0 s6, $0xE  }
0xa9: {  	s6 =	sadd.s32 @p0 $0x11B8D, s6;
	s7 =	sshll.u32 @p0 s5, $0x11  }
0xaa: {  	s6 =	sor.u32 @p0 s7, s6  }
0xab: {  	[sflag:s6] =	ssyncadd.remote.s32 @p0 $0x1;
	_ =	sdelay $0x1  }
0xac: {  	s6 =	simm.s32 @p0 $0x1B8D  }
0xad: {  	_ =	swait.eq @p0 [sflag:s6], $0x1  }
0xae: {  	[sflag:s6] =	ssyncadd.s32 @p0 $0xFFFFFFFF  }
0xaf: {  	s7 =	sshll.u32 @!p0 s1, $0xE  }
0xb0: {  	s7 =	sor.u32 @!p0 $0x4000, s7;
	s6 =	simm.s32 @!p0 $0x1B8D  }
0xb1: {  	s5 =	sshll.u32 @!p0 s5, $0x11;
	s7 =	sadd.s32 @!p0 $0x11B8D, s7;
	_ =	swait.eq @!p0 [sflag:s6], $0x1  }
0xb2: {  	s5 =	sor.u32 @!p0 s5, s7;
	[sflag:s6] =	ssyncadd.s32 @!p0 $0xFFFFFFFF  }
0xb3: {  	s25 =	simm.s32 $0x1B8E;
	s24 =	sld [smem:$0x3FFE];
	[sflag:s5] =	ssyncadd.remote.s32 @!p0 $0x1  }
0xb4: {  	s26 =	simm.s32 $execute0_lowered;
	[smem:$0x3FD2] =	sst s25  }
0xb5: {  	s6 =	sshll.u32 s26, $0x1;
	_ =	strace $0x80000049;
	[dreg:$0x1] =	wrdreg $0xFFFFFFFF  }
0xb6: {  	s28 =	simm.s32 $_size_execute0_lowered;
	s4 =	sadd.s32 s4, s6;
	[dreg:$0x0] =	wrdreg $0x0  }
0xb7: {  	s6 =	sshll.u32 s28, $0x1;
	[dreg:$0x2] =	wrdreg s4  }
0xb8: {  	[dreg:$0x3] =	wrdreg s6  }
0xb9: {  	[dreg:$0x4] =	wrdreg $0xC0  }
0xba: {  	_ =	task [dreg:s22], $0x5FFFF  }
0xbb: {  	[dreg:$0x1] =	wrdreg $0xFFFFFFFF  }
0xbc: {  	[dreg:$0x0] =	wrdreg $0x60  }
0xbd: {  	[dreg:$0x2] =	wrdreg s18  }
0xbe: {  	[dreg:$0x3] =	wrdreg s24  }
0xbf: {  	[dreg:$0x4] =	wrdreg $0xA  }
0xc0: {  	_ =	task.clear_ibuf [dreg:s22], $0x5FFFF;
	_ =	strace $0x90000049  }
0xc1: {  	s29 =	simm.s32 $0xA;
	_ =	strace $0x8000004B  }
0xc2: {  	_ =	swait.ge [sflag:s29], $0x1  }
0xc3: {  	[sflag:s29] =	ssyncadd.s32 $0xFFFFFFFF  }
0xc4: {  	_ =	strace $0x9000004B  }
0xc5: {  	_ =	sfence  }
0xc6: {  	s30 =	sld [smem:$0x0];
	_ =	sdelay $0x2  }
0xc7: {  	s31 =	sshll.u32 s1, $0xD;
	s1 =	sshrl.u32 s1, $0x2  }
0xc8: {  	s4 =	sand.u32 $0x4000, s31;
	s1 =	sadd.s32 s1, s30  }
0xc9: {  	s0 =	sor.u32 s4, s0;
	s1 =	sshll.u32 s1, $0x11  }
0xca: {  	s0 =	sor.u32 s1, s0  }
0xcb: {  	s0 =	sadd.s32 $0x8F2B, s0  }
0xcc: {  	[sflag:s0] =	ssyncadd.remote.s32 $0x1  }
0xcd: {  	_ =	sfence.sel $0xFFFF  }
0xce: {  	[dreg:$0x0] =	wrdreg $0xFFFFFFFF;
	(pc) =	sbr.abs _section_cstart, $3  }
0xcf: {  	[dreg:$0x1] =	wrdreg $0xFFFFFFFF  }
0xd0: {  	_ =	task.clear_ibuf [dreg:s22], $0x2FFFF;
	_ =	strace $0x9FFFFFFF  }
0xd1: {  	(tm) =	ssettm $0x7FFFFFFF  }
tec
execute0_lowered:
.L_overlay_start_1:
0x0: {  	(tag) =	ssettag $0x1  }
0x1: {  	s0 =	srdreg.scid;
	s2 =	rddreg [dreg:$0x0]  }
0x2: {  	s1 =	stileid.u32;
	s4 =	rddreg [dreg:$0x1];
	s10 =	simm.s32 $0x200  }
0x3: {  	s7 =	simm.s32 $0xC200;
	s16 =	simm.s32 $0xFA00;
	s17 =	simm.s32 $0x10200  }
0x4: {  	s18 =	simm.s32 $0x10A00;
	s19 =	simm.s32 $0x11200;
	s20 =	simm.s32 $0x11A00  }
0x5: {  	s21 =	simm.s32 $0x12200;
	s22 =	simm.s32 $0x12A00;
	s23 =	simm.s32 $0x13200  }
0x6: {  	s24 =	simm.s32 $0x13A00;
	s25 =	simm.s32 $0x14200;
	s28 =	simm.s32 $0x15200  }
0x7: {  	s29 =	simm.s32 $0x15A00;
	s30 =	simm.s32 $0x16200;
	s31 =	simm.s32 $0x16A00  }
0x8: {  	s9 =	simm.s32 $0x2;
	s11 =	simm.s32 $0x3;
	s0 =	sand.u32 $0x1, s0  }
0x9: {  	s12 =	simm.s32 $0x4;
	s1 =	sshll.u32 s1, $0xA;
	s3 =	sshll.u32 s0, $0x9  }
0xa: {  	s14 =	simm.s32 $0x0;
	s6 =	sadd.s32 $0x200, s2;
	s1 =	sor.u32 s3, s1  }
0xb: {  	s0 =	ssub.s32 $0x2, s0;
	s3 =	simm.s32 $0x0;
	s1 =	sshrl.u32 s1, $0x3  }
0xc: {  	s26 =	sshrl.u32 s0, $0x1;
	[smem:$0x7FF] =	sst s3;
	s5 =	smul.u32 $0x300, s1  }
.Ltmp0:
0xd: {  	s0 =	ssub.s32 s0, s26;
	s26 =	simm.s32 $0x14A00;
	(pc) =	sbr.rel .LBB2_1-.Ltmp0, $4  }
0xe: {  	_ =	strace $0x8000004A;
	s1 =	sadd.s32 s1, s4;
	s0 =	smax.u32 s0, $0x1  }
0xf: {  	v2 =	vlaneseq.u32;
	s1 =	sadd.s32 $0x182E00, s1;
	[dreg:$0x4] =	wrdreg s0;
	s0 =	simm.s32 $0x17A00  }
0x10: {  	vm0 =	vmmov $0xffff;
	v1 =	vshrl.u32 v2, $0x3;
	s4 =	sadd.s32 s5, s4;
	[dreg:$0x3] =	wrdreg s1;
	s5 =	sadd.s32 $0x100, s2  }
0x11: {  	v0 =	vand.u32 $0x7, v2;
	v2 =	vor.u32 $0x8, v2;
	v1 =	vmul.u32 $0x8, v1;
	s1 =	simm.s32 $0x17200;
	s8 =	sadd.s32 $0x183600, s4;
	s4 =	simm.s32 $0x1  }
.LBB2_4:
0x12: {  	_ =	swait.ge [sflag:s12], $0xC000  }
0x13: {  	s14 =	rddreg [dreg:$0x5]  }
0x14: {  	s13 =	rddreg [dreg:$0x4];
	s14 =	sadd.s32 $0x1, s14  }
0x15: {  	p0 =	sne.s32 s14, s13  }
.Ltmp1:
0x16: {  	_ = 	snop;
	(pc) =	sbr.rel @!p0 .LBB2_5-.Ltmp1, $3  }
0x17: {  	_ =	sdelay $0x1  }
0x18: {  	[sflag:s12] =	ssyncset.done $0x0  }
0x19: {  	[sflag:s12] =	ssyncadd.s32 $0xFFFF4000  }
.LBB2_1:
0x1a: {  	[dreg:$0x5] =	wrdreg s14  }
0x1b: {  	s13 =	rddreg [dreg:$0x3];
	s14 =	simm.s32 $0x5  }
0x1c: {  	[tilespmem:s3], [sflag:$0x5] =	stream.linear.gather [hbm4b:s13+s3], $0x200, $0x38;
	[tilespmem:$0x18200] =	vst v63  }
0x1d: {  	_ =	swait.ge [sflag:s14], $0x200  }
0x1e: {  	[sflag:s14] =	ssyncset.done $0x0  }
0x1f: {  	[sflag:s14] =	ssyncadd.s32 $0xFFFFFE00  }
0x20: {  	v3 =	vld [tilespmem:$0x0];
	_ =	sdelay $0x4  }
0x21: {  	v4 =	vshrl.u32 v3, $0x3  }
0x22: {  	v4 =	vmul.u32 $0x30, v4  }
0x23: {  	v3 =	vand.u32 $0x7, v3  }
0x24: {  	v3 =	vor.u32 v3, v4  }
0x25: {  	v4 =	vperm.xlane v3, v0;
	_ =	sdelay $0x1  }
0x26: {  	v4 =	vadd.s32 v1, v4;
	_ =	sdelay $0x3  }
0x27: {  	v3 =	vperm.xlane v3, v2  }
0x28: {  	[tilespmem:s10], [sflag:$0x1] =	stream.indirect_vreg.gather [hbm4b:s2+s3], $0x80, v4, vm0, $0xb8;
	[tilespmem:$0x18200] =	vst v63  }
0x29: {  	s15 =	simm.s32 $0xA00;
	v3 =	vadd.s32 v1, v3  }
0x2a: {  	[tilespmem:s15], [sflag:$0x1] =	stream.indirect_vreg.gather [hbm4b:s5+s3], $0x80, v4, vm0, $0xb8;
	[tilespmem:$0x18200] =	vst v63  }
0x2b: {  	s14 =	simm.s32 $0x1200  }
0x2c: {  	[tilespmem:s14], [sflag:$0x1] =	stream.indirect_vreg.gather [hbm4b:s6+s3], $0x80, v4, vm0, $0xb8;
	[tilespmem:$0x18200] =	vst v63  }
0x2d: {  	s15 =	simm.s32 $0x1A00  }
0x2e: {  	[tilespmem:s15], [sflag:$0x1] =	stream.indirect_vreg.gather [hbm4b:s2+s3], $0x80, v3, vm0, $0xb8;
	[tilespmem:$0x18200] =	vst v63  }
0x2f: {  	s14 =	simm.s32 $0x2200  }
0x30: {  	[tilespmem:s14], [sflag:$0x1] =	stream.indirect_vreg.gather [hbm4b:s5+s3], $0x80, v3, vm0, $0xb8;
	[tilespmem:$0x18200] =	vst v63  }
0x31: {  	s15 =	simm.s32 $0x2A00  }
0x32: {  	[tilespmem:s15], [sflag:$0x1] =	stream.indirect_vreg.gather [hbm4b:s6+s3], $0x80, v3, vm0, $0xb8;
	[tilespmem:$0x18200] =	vst v63  }
0x33: {  	v3 =	vld [tilespmem:$0x10];
	_ =	sdelay $0x4  }
0x34: {  	v57 =	vshrl.u32 v3, $0x3  }
0x35: {  	v4 =	vmul.u32 $0x30, v57  }
0x36: {  	v3 =	vand.u32 $0x7, v3  }
0x37: {  	v3 =	vor.u32 v3, v4  }
0x38: {  	v4 =	vperm.xlane v3, v0;
	_ =	sdelay $0x1  }
0x39: {  	v4 =	vadd.s32 v1, v4;
	_ =	sdelay $0x3  }
0x3a: {  	s14 =	simm.s32 $0x3200;
	v3 =	vperm.xlane v3, v2  }
0x3b: {  	[tilespmem:s14], [sflag:$0x1] =	stream.indirect_vreg.gather [hbm4b:s2+s3], $0x80, v4, vm0, $0xb8;
	[tilespmem:$0x18200] =	vst v63  }
0x3c: {  	s15 =	simm.s32 $0x3A00;
	v3 =	vadd.s32 v1, v3  }
0x3d: {  	[tilespmem:s15], [sflag:$0x1] =	stream.indirect_vreg.gather [hbm4b:s5+s3], $0x80, v4, vm0, $0xb8;
	[tilespmem:$0x18200] =	vst v63  }
0x3e: {  	s14 =	simm.s32 $0x4200  }
0x3f: {  	[tilespmem:s14], [sflag:$0x1] =	stream.indirect_vreg.gather [hbm4b:s6+s3], $0x80, v4, vm0, $0xb8;
	[tilespmem:$0x18200] =	vst v63  }
0x40: {  	s15 =	simm.s32 $0x4A00  }
0x41: {  	[tilespmem:s15], [sflag:$0x1] =	stream.indirect_vreg.gather [hbm4b:s2+s3], $0x80, v3, vm0, $0xb8;
	[tilespmem:$0x18200] =	vst v63  }
0x42: {  	s14 =	simm.s32 $0x5200  }
0x43: {  	[tilespmem:s14], [sflag:$0x1] =	stream.indirect_vreg.gather [hbm4b:s5+s3], $0x80, v3, vm0, $0xb8;
	[tilespmem:$0x18200] =	vst v63  }
0x44: {  	s15 =	simm.s32 $0x5A00  }
0x45: {  	[tilespmem:s15], [sflag:$0x1] =	stream.indirect_vreg.gather [hbm4b:s6+s3], $0x80, v3, vm0, $0xb8;
	[tilespmem:$0x18200] =	vst v63  }
0x46: {  	v3 =	vld [tilespmem:$0x20];
	_ =	sdelay $0x4  }
0x47: {  	v58 =	vshrl.u32 v3, $0x3  }
0x48: {  	v4 =	vmul.u32 $0x30, v58  }
0x49: {  	v3 =	vand.u32 $0x7, v3  }
0x4a: {  	v3 =	vor.u32 v3, v4  }
0x4b: {  	v4 =	vperm.xlane v3, v0;
	_ =	sdelay $0x1  }
0x4c: {  	v4 =	vadd.s32 v1, v4;
	_ =	sdelay $0x3  }
0x4d: {  	s14 =	simm.s32 $0x6200;
	v3 =	vperm.xlane v3, v2  }
0x4e: {  	[tilespmem:s14], [sflag:$0x1] =	stream.indirect_vreg.gather [hbm4b:s2+s3], $0x80, v4, vm0, $0xb8;
	[tilespmem:$0x18200] =	vst v63  }
0x4f: {  	s15 =	simm.s32 $0x6A00;
	v3 =	vadd.s32 v1, v3  }
0x50: {  	[tilespmem:s15], [sflag:$0x1] =	stream.indirect_vreg.gather [hbm4b:s5+s3], $0x80, v4, vm0, $0xb8;
	[tilespmem:$0x18200] =	vst v63  }
0x51: {  	s14 =	simm.s32 $0x7200  }
0x52: {  	[tilespmem:s14], [sflag:$0x1] =	stream.indirect_vreg.gather [hbm4b:s6+s3], $0x80, v4, vm0, $0xb8;
	[tilespmem:$0x18200] =	vst v63  }
0x53: {  	s15 =	simm.s32 $0x7A00  }
0x54: {  	[tilespmem:s15], [sflag:$0x1] =	stream.indirect_vreg.gather [hbm4b:s2+s3], $0x80, v3, vm0, $0xb8;
	[tilespmem:$0x18200] =	vst v63  }
0x55: {  	s14 =	simm.s32 $0x8200  }
0x56: {  	[tilespmem:s14], [sflag:$0x1] =	stream.indirect_vreg.gather [hbm4b:s5+s3], $0x80, v3, vm0, $0xb8;
	[tilespmem:$0x18200] =	vst v63  }
0x57: {  	s15 =	simm.s32 $0x8A00  }
0x58: {  	[tilespmem:s15], [sflag:$0x1] =	stream.indirect_vreg.gather [hbm4b:s6+s3], $0x80, v3, vm0, $0xb8;
	[tilespmem:$0x18200] =	vst v63  }
0x59: {  	v3 =	vld [tilespmem:$0x30];
	_ =	sdelay $0x4  }
0x5a: {  	v59 =	vshrl.u32 v3, $0x3  }
0x5b: {  	v4 =	vmul.u32 $0x30, v59  }
0x5c: {  	v3 =	vand.u32 $0x7, v3  }
0x5d: {  	v3 =	vor.u32 v3, v4  }
0x5e: {  	v4 =	vperm.xlane v3, v0;
	_ =	sdelay $0x1  }
0x5f: {  	v4 =	vadd.s32 v1, v4;
	_ =	sdelay $0x3  }
0x60: {  	s14 =	simm.s32 $0x9200;
	v3 =	vperm.xlane v3, v2  }
0x61: {  	[tilespmem:s14], [sflag:$0x1] =	stream.indirect_vreg.gather [hbm4b:s2+s3], $0x80, v4, vm0, $0xb8;
	[tilespmem:$0x18200] =	vst v63  }
0x62: {  	s15 =	simm.s32 $0x9A00;
	v3 =	vadd.s32 v1, v3  }
0x63: {  	[tilespmem:s15], [sflag:$0x1] =	stream.indirect_vreg.gather [hbm4b:s5+s3], $0x80, v4, vm0, $0xb8;
	[tilespmem:$0x18200] =	vst v63  }
0x64: {  	s14 =	simm.s32 $0xA200  }
0x65: {  	[tilespmem:s14], [sflag:$0x1] =	stream.indirect_vreg.gather [hbm4b:s6+s3], $0x80, v4, vm0, $0xb8;
	[tilespmem:$0x18200] =	vst v63  }
0x66: {  	s15 =	simm.s32 $0xAA00  }
0x67: {  	[tilespmem:s15], [sflag:$0x1] =	stream.indirect_vreg.gather [hbm4b:s2+s3], $0x80, v3, vm0, $0xb8;
	[tilespmem:$0x18200] =	vst v63  }
0x68: {  	s14 =	simm.s32 $0xB200  }
0x69: {  	[tilespmem:s14], [sflag:$0x1] =	stream.indirect_vreg.gather [hbm4b:s5+s3], $0x80, v3, vm0, $0xb8;
	[tilespmem:$0x18200] =	vst v63  }
0x6a: {  	s15 =	simm.s32 $0xBA00  }
0x6b: {  	[tilespmem:s15], [sflag:$0x1] =	stream.indirect_vreg.gather [hbm4b:s6+s3], $0x80, v3, vm0, $0xb8;
	[tilespmem:$0x18200] =	vst v63  }
0x6c: {  	v3 =	vld [tilespmem:$0x40];
	_ =	sdelay $0x4  }
0x6d: {  	v60 =	vshrl.u32 v3, $0x3  }
0x6e: {  	v4 =	vmul.u32 $0x30, v60  }
0x6f: {  	v3 =	vand.u32 $0x7, v3  }
0x70: {  	v3 =	vor.u32 v3, v4  }
0x71: {  	v4 =	vperm.xlane v3, v0;
	_ =	sdelay $0x1  }
0x72: {  	v4 =	vadd.s32 v1, v4;
	_ =	sdelay $0x3  }
0x73: {  	v3 =	vperm.xlane v3, v2  }
0x74: {  	[tilespmem:s7], [sflag:$0x2] =	stream.indirect_vreg.gather [hbm4b:s2+s3], $0x80, v4, vm0, $0xb8;
	[tilespmem:$0x18200] =	vst v63  }
0x75: {  	s14 =	simm.s32 $0xCA00;
	v3 =	vadd.s32 v1, v3  }
0x76: {  	[tilespmem:s14], [sflag:$0x2] =	stream.indirect_vreg.gather [hbm4b:s5+s3], $0x80, v4, vm0, $0xb8;
	[tilespmem:$0x18200] =	vst v63  }
0x77: {  	s15 =	simm.s32 $0xD200  }
0x78: {  	[tilespmem:s15], [sflag:$0x2] =	stream.indirect_vreg.gather [hbm4b:s6+s3], $0x80, v4, vm0, $0xb8;
	[tilespmem:$0x18200] =	vst v63  }
0x79: {  	s14 =	simm.s32 $0xDA00  }
0x7a: {  	[tilespmem:s14], [sflag:$0x2] =	stream.indirect_vreg.gather [hbm4b:s2+s3], $0x80, v3, vm0, $0xb8;
	[tilespmem:$0x18200] =	vst v63  }
0x7b: {  	s15 =	simm.s32 $0xE200  }
0x7c: {  	[tilespmem:s15], [sflag:$0x2] =	stream.indirect_vreg.gather [hbm4b:s5+s3], $0x80, v3, vm0, $0xb8;
	[tilespmem:$0x18200] =	vst v63  }
0x7d: {  	s14 =	simm.s32 $0xEA00  }
0x7e: {  	[tilespmem:s14], [sflag:$0x2] =	stream.indirect_vreg.gather [hbm4b:s6+s3], $0x80, v3, vm0, $0xb8;
	[tilespmem:$0x18200] =	vst v63  }
0x7f: {  	v3 =	vld [tilespmem:$0x50];
	_ =	sdelay $0x4  }
0x80: {  	v61 =	vshrl.u32 v3, $0x3  }
0x81: {  	v4 =	vmul.u32 $0x30, v61  }
0x82: {  	v3 =	vand.u32 $0x7, v3  }
0x83: {  	v3 =	vor.u32 v3, v4  }
0x84: {  	v4 =	vperm.xlane v3, v0;
	_ =	sdelay $0x1  }
0x85: {  	v4 =	vadd.s32 v1, v4;
	_ =	sdelay $0x3  }
0x86: {  	s15 =	simm.s32 $0xF200;
	v3 =	vperm.xlane v3, v2  }
0x87: {  	[tilespmem:s15], [sflag:$0x2] =	stream.indirect_vreg.gather [hbm4b:s2+s3], $0x80, v4, vm0, $0xb8;
	[tilespmem:$0x18200] =	vst v63  }
0x88: {  	v3 =	vadd.s32 v1, v3  }
0x89: {  	[tilespmem:s16], [sflag:$0x2] =	stream.indirect_vreg.gather [hbm4b:s5+s3], $0x80, v4, vm0, $0xb8;
	[tilespmem:$0x18200] =	vst v63  }
0x8a: {  	_ = 	snop  }
0x8b: {  	[tilespmem:s17], [sflag:$0x2] =	stream.indirect_vreg.gather [hbm4b:s6+s3], $0x80, v4, vm0, $0xb8;
	[tilespmem:$0x18200] =	vst v63  }
0x8c: {  	_ = 	snop  }
0x8d: {  	[tilespmem:s18], [sflag:$0x2] =	stream.indirect_vreg.gather [hbm4b:s2+s3], $0x80, v3, vm0, $0xb8;
	[tilespmem:$0x18200] =	vst v63  }
0x8e: {  	_ = 	snop  }
0x8f: {  	[tilespmem:s19], [sflag:$0x2] =	stream.indirect_vreg.gather [hbm4b:s5+s3], $0x80, v3, vm0, $0xb8;
	[tilespmem:$0x18200] =	vst v63  }
0x90: {  	_ = 	snop  }
0x91: {  	[tilespmem:s20], [sflag:$0x2] =	stream.indirect_vreg.gather [hbm4b:s6+s3], $0x80, v3, vm0, $0xb8;
	[tilespmem:$0x18200] =	vst v63  }
0x92: {  	v3 =	vld [tilespmem:$0x60];
	_ =	sdelay $0x4  }
0x93: {  	v62 =	vshrl.u32 v3, $0x3  }
0x94: {  	v4 =	vmul.u32 $0x30, v62  }
0x95: {  	v3 =	vand.u32 $0x7, v3  }
0x96: {  	v3 =	vor.u32 v3, v4  }
0x97: {  	v4 =	vperm.xlane v3, v0;
	_ =	sdelay $0x1  }
0x98: {  	v4 =	vadd.s32 v1, v4;
	_ =	sdelay $0x3  }
0x99: {  	v3 =	vperm.xlane v3, v2  }
0x9a: {  	[tilespmem:s21], [sflag:$0x2] =	stream.indirect_vreg.gather [hbm4b:s2+s3], $0x80, v4, vm0, $0xb8;
	[tilespmem:$0x18200] =	vst v63  }
0x9b: {  	v3 =	vadd.s32 v1, v3  }
0x9c: {  	[tilespmem:s22], [sflag:$0x2] =	stream.indirect_vreg.gather [hbm4b:s5+s3], $0x80, v4, vm0, $0xb8;
	[tilespmem:$0x18200] =	vst v63  }
0x9d: {  	_ = 	snop  }
0x9e: {  	[tilespmem:s23], [sflag:$0x2] =	stream.indirect_vreg.gather [hbm4b:s6+s3], $0x80, v4, vm0, $0xb8;
	[tilespmem:$0x18200] =	vst v63  }
0x9f: {  	_ = 	snop  }
0xa0: {  	[tilespmem:s24], [sflag:$0x2] =	stream.indirect_vreg.gather [hbm4b:s2+s3], $0x80, v3, vm0, $0xb8;
	[tilespmem:$0x18200] =	vst v63  }
0xa1: {  	_ = 	snop  }
0xa2: {  	[tilespmem:s25], [sflag:$0x2] =	stream.indirect_vreg.gather [hbm4b:s5+s3], $0x80, v3, vm0, $0xb8;
	[tilespmem:$0x18200] =	vst v63  }
0xa3: {  	_ = 	snop  }
0xa4: {  	[tilespmem:s26], [sflag:$0x2] =	stream.indirect_vreg.gather [hbm4b:s6+s3], $0x80, v3, vm0, $0xb8;
	[tilespmem:$0x18200] =	vst v63  }
0xa5: {  	v3 =	vld [tilespmem:$0x70];
	_ =	sdelay $0x4  }
0xa6: {  	v63 =	vshrl.u32 v3, $0x3  }
0xa7: {  	v4 =	vmul.u32 $0x30, v63  }
0xa8: {  	v3 =	vand.u32 $0x7, v3  }
0xa9: {  	v3 =	vor.u32 v3, v4  }
0xaa: {  	v4 =	vperm.xlane v3, v0;
	_ =	sdelay $0x1  }
0xab: {  	v4 =	vadd.s32 v1, v4;
	_ =	sdelay $0x3  }
0xac: {  	v3 =	vperm.xlane v3, v2  }
0xad: {  	[tilespmem:s28], [sflag:$0x2] =	stream.indirect_vreg.gather [hbm4b:s2+s3], $0x80, v4, vm0, $0xb8;
	[tilespmem:$0x18200] =	vst v63  }
0xae: {  	v3 =	vadd.s32 v1, v3  }
0xaf: {  	[tilespmem:s29], [sflag:$0x2] =	stream.indirect_vreg.gather [hbm4b:s5+s3], $0x80, v4, vm0, $0xb8;
	[tilespmem:$0x18200] =	vst v63  }
0xb0: {  	_ = 	snop  }
0xb1: {  	[tilespmem:s30], [sflag:$0x2] =	stream.indirect_vreg.gather [hbm4b:s6+s3], $0x80, v4, vm0, $0xb8;
	[tilespmem:$0x18200] =	vst v63  }
0xb2: {  	_ = 	snop  }
0xb3: {  	[tilespmem:s31], [sflag:$0x2] =	stream.indirect_vreg.gather [hbm4b:s2+s3], $0x80, v3, vm0, $0xb8;
	[tilespmem:$0x18200] =	vst v63  }
0xb4: {  	_ = 	snop  }
0xb5: {  	[tilespmem:s1], [sflag:$0x2] =	stream.indirect_vreg.gather [hbm4b:s5+s3], $0x80, v3, vm0, $0xb8;
	[tilespmem:$0x18200] =	vst v63  }
0xb6: {  	s13 =	simm.s32 $0xF0;
	s14 =	simm.s32 $0x0  }
0xb7: {  	[tilespmem:s0], [sflag:$0x2] =	stream.indirect_vreg.gather [hbm4b:s6+s3], $0x80, v3, vm0, $0xb8;
	[tilespmem:$0x18200] =	vst v63  }
.LBB2_2:
0xb8: {  	_ =	swait.ge [sflag:s4], $0xC000  }
0xb9: {  	[sflag:s4] =	ssyncset.done $0x0  }
0xba: {  	s15 =	sadd.s32 s14, s8;
	[sflag:s4] =	ssyncadd.s32 $0xFFFF4000  }
0xbb: {  	[hbm4b:s15+s3] =	stream.linear.scatter [tilespmem:s10], [sflag:$0x3], $0xC000, $0x38;
	[tilespmem:$0x18200] =	vst v63  }
0xbc: {  	_ =	swait.ge [sflag:s9], $0xC000  }
0xbd: {  	p0 =	seq.s32 s14, $0x9000;
	[sflag:s9] =	ssyncset.done $0x0  }
.Ltmp2:
0xbe: {  	s15 =	sadd.s32 $0x1800, s15;
	[sflag:s9] =	ssyncadd.s32 $0xFFFF4000;
	(pc) =	sbr.rel @p0 .LBB2_4-.Ltmp2, $4  }
0xbf: {  	[hbm4b:s15+s3] =	stream.linear.scatter [tilespmem:s7], [sflag:$0x4], $0xC000, $0x38;
	[tilespmem:$0x18200] =	vst v63  }
0xc0: {  	_ =	swait.ge [sflag:s11], $0xC000  }
0xc1: {  	[sflag:s11] =	ssyncset.done $0x0  }
0xc2: {  	[sflag:s11] =	ssyncadd.s32 $0xFFFF4000  }
0xc3: {  	v3 =	vld [tilespmem:s13+$0xFFFFFF90];
	_ =	sdelay $0x4  }
0xc4: {  	v4 =	vshrl.u32 v3, $0x3  }
0xc5: {  	v4 =	vmul.u32 $0x30, v4  }
0xc6: {  	v3 =	vand.u32 $0x7, v3  }
0xc7: {  	v3 =	vor.u32 v3, v4  }
0xc8: {  	v4 =	vperm.xlane v3, v0;
	_ =	sdelay $0x1  }
0xc9: {  	v4 =	vadd.s32 v1, v4;
	_ =	sdelay $0x3  }
0xca: {  	v3 =	vperm.xlane v3, v2  }
0xcb: {  	[tilespmem:s10], [sflag:$0x1] =	stream.indirect_vreg.gather [hbm4b:s2+s3], $0x80, v4, vm0, $0xb8;
	[tilespmem:$0x18200] =	vst v63  }
0xcc: {  	s15 =	simm.s32 $0xA00;
	v3 =	vadd.s32 v1, v3  }
0xcd: {  	[tilespmem:s15], [sflag:$0x1] =	stream.indirect_vreg.gather [hbm4b:s5+s3], $0x80, v4, vm0, $0xb8;
	[tilespmem:$0x18200] =	vst v63  }
0xce: {  	s15 =	simm.s32 $0x1200  }
0xcf: {  	[tilespmem:s15], [sflag:$0x1] =	stream.indirect_vreg.gather [hbm4b:s6+s3], $0x80, v4, vm0, $0xb8;
	[tilespmem:$0x18200] =	vst v63  }
0xd0: {  	s15 =	simm.s32 $0x1A00  }
0xd1: {  	[tilespmem:s15], [sflag:$0x1] =	stream.indirect_vreg.gather [hbm4b:s2+s3], $0x80, v3, vm0, $0xb8;
	[tilespmem:$0x18200] =	vst v63  }
0xd2: {  	s15 =	simm.s32 $0x2200  }
0xd3: {  	[tilespmem:s15], [sflag:$0x1] =	stream.indirect_vreg.gather [hbm4b:s5+s3], $0x80, v3, vm0, $0xb8;
	[tilespmem:$0x18200] =	vst v63  }
0xd4: {  	s15 =	simm.s32 $0x2A00  }
0xd5: {  	[tilespmem:s15], [sflag:$0x1] =	stream.indirect_vreg.gather [hbm4b:s6+s3], $0x80, v3, vm0, $0xb8;
	[tilespmem:$0x18200] =	vst v63  }
0xd6: {  	v3 =	vld [tilespmem:s13+$0xFFFFFFA0];
	_ =	sdelay $0x4  }
0xd7: {  	v57 =	vshrl.u32 v3, $0x3  }
0xd8: {  	v4 =	vmul.u32 $0x30, v57  }
0xd9: {  	v3 =	vand.u32 $0x7, v3  }
0xda: {  	v3 =	vor.u32 v3, v4  }
0xdb: {  	v4 =	vperm.xlane v3, v0;
	_ =	sdelay $0x1  }
0xdc: {  	v4 =	vadd.s32 v1, v4;
	_ =	sdelay $0x3  }
0xdd: {  	s15 =	simm.s32 $0x3200;
	v3 =	vperm.xlane v3, v2  }
0xde: {  	[tilespmem:s15], [sflag:$0x1] =	stream.indirect_vreg.gather [hbm4b:s2+s3], $0x80, v4, vm0, $0xb8;
	[tilespmem:$0x18200] =	vst v63  }
0xdf: {  	v3 =	vadd.s32 v1, v3;
	s15 =	simm.s32 $0x3A00  }
0xe0: {  	[tilespmem:s15], [sflag:$0x1] =	stream.indirect_vreg.gather [hbm4b:s5+s3], $0x80, v4, vm0, $0xb8;
	[tilespmem:$0x18200] =	vst v63  }
0xe1: {  	s15 =	simm.s32 $0x4200  }
0xe2: {  	[tilespmem:s15], [sflag:$0x1] =	stream.indirect_vreg.gather [hbm4b:s6+s3], $0x80, v4, vm0, $0xb8;
	[tilespmem:$0x18200] =	vst v63  }
0xe3: {  	s15 =	simm.s32 $0x4A00  }
0xe4: {  	[tilespmem:s15], [sflag:$0x1] =	stream.indirect_vreg.gather [hbm4b:s2+s3], $0x80, v3, vm0, $0xb8;
	[tilespmem:$0x18200] =	vst v63  }
0xe5: {  	s15 =	simm.s32 $0x5200  }
0xe6: {  	[tilespmem:s15], [sflag:$0x1] =	stream.indirect_vreg.gather [hbm4b:s5+s3], $0x80, v3, vm0, $0xb8;
	[tilespmem:$0x18200] =	vst v63  }
0xe7: {  	s15 =	simm.s32 $0x5A00  }
0xe8: {  	[tilespmem:s15], [sflag:$0x1] =	stream.indirect_vreg.gather [hbm4b:s6+s3], $0x80, v3, vm0, $0xb8;
	[tilespmem:$0x18200] =	vst v63  }
0xe9: {  	v3 =	vld [tilespmem:s13+$0xFFFFFFB0];
	_ =	sdelay $0x4  }
0xea: {  	v58 =	vshrl.u32 v3, $0x3  }
0xeb: {  	v4 =	vmul.u32 $0x30, v58  }
0xec: {  	v3 =	vand.u32 $0x7, v3  }
0xed: {  	v3 =	vor.u32 v3, v4  }
0xee: {  	v4 =	vperm.xlane v3, v0;
	_ =	sdelay $0x1  }
0xef: {  	v4 =	vadd.s32 v1, v4;
	_ =	sdelay $0x3  }
0xf0: {  	s15 =	simm.s32 $0x6200;
	v3 =	vperm.xlane v3, v2  }
0xf1: {  	[tilespmem:s15], [sflag:$0x1] =	stream.indirect_vreg.gather [hbm4b:s2+s3], $0x80, v4, vm0, $0xb8;
	[tilespmem:$0x18200] =	vst v63  }
0xf2: {  	v3 =	vadd.s32 v1, v3;
	s15 =	simm.s32 $0x6A00  }
0xf3: {  	[tilespmem:s15], [sflag:$0x1] =	stream.indirect_vreg.gather [hbm4b:s5+s3], $0x80, v4, vm0, $0xb8;
	[tilespmem:$0x18200] =	vst v63  }
0xf4: {  	s15 =	simm.s32 $0x7200  }
0xf5: {  	[tilespmem:s15], [sflag:$0x1] =	stream.indirect_vreg.gather [hbm4b:s6+s3], $0x80, v4, vm0, $0xb8;
	[tilespmem:$0x18200] =	vst v63  }
0xf6: {  	s15 =	simm.s32 $0x7A00  }
0xf7: {  	[tilespmem:s15], [sflag:$0x1] =	stream.indirect_vreg.gather [hbm4b:s2+s3], $0x80, v3, vm0, $0xb8;
	[tilespmem:$0x18200] =	vst v63  }
0xf8: {  	s15 =	simm.s32 $0x8200  }
0xf9: {  	[tilespmem:s15], [sflag:$0x1] =	stream.indirect_vreg.gather [hbm4b:s5+s3], $0x80, v3, vm0, $0xb8;
	[tilespmem:$0x18200] =	vst v63  }
0xfa: {  	s15 =	simm.s32 $0x8A00  }
0xfb: {  	[tilespmem:s15], [sflag:$0x1] =	stream.indirect_vreg.gather [hbm4b:s6+s3], $0x80, v3, vm0, $0xb8;
	[tilespmem:$0x18200] =	vst v63  }
0xfc: {  	v3 =	vld [tilespmem:s13+$0xFFFFFFC0];
	_ =	sdelay $0x4  }
0xfd: {  	v59 =	vshrl.u32 v3, $0x3  }
0xfe: {  	v4 =	vmul.u32 $0x30, v59  }
0xff: {  	v3 =	vand.u32 $0x7, v3  }
0x100: {  	v3 =	vor.u32 v3, v4  }
0x101: {  	v4 =	vperm.xlane v3, v0;
	_ =	sdelay $0x1  }
0x102: {  	v4 =	vadd.s32 v1, v4;
	_ =	sdelay $0x3  }
0x103: {  	s15 =	simm.s32 $0x9200;
	v3 =	vperm.xlane v3, v2  }
0x104: {  	[tilespmem:s15], [sflag:$0x1] =	stream.indirect_vreg.gather [hbm4b:s2+s3], $0x80, v4, vm0, $0xb8;
	[tilespmem:$0x18200] =	vst v63  }
0x105: {  	v3 =	vadd.s32 v1, v3;
	s15 =	simm.s32 $0x9A00  }
0x106: {  	[tilespmem:s15], [sflag:$0x1] =	stream.indirect_vreg.gather [hbm4b:s5+s3], $0x80, v4, vm0, $0xb8;
	[tilespmem:$0x18200] =	vst v63  }
0x107: {  	s15 =	simm.s32 $0xA200  }
0x108: {  	[tilespmem:s15], [sflag:$0x1] =	stream.indirect_vreg.gather [hbm4b:s6+s3], $0x80, v4, vm0, $0xb8;
	[tilespmem:$0x18200] =	vst v63  }
0x109: {  	s15 =	simm.s32 $0xAA00  }
0x10a: {  	[tilespmem:s15], [sflag:$0x1] =	stream.indirect_vreg.gather [hbm4b:s2+s3], $0x80, v3, vm0, $0xb8;
	[tilespmem:$0x18200] =	vst v63  }
0x10b: {  	s15 =	simm.s32 $0xB200  }
0x10c: {  	[tilespmem:s15], [sflag:$0x1] =	stream.indirect_vreg.gather [hbm4b:s5+s3], $0x80, v3, vm0, $0xb8;
	[tilespmem:$0x18200] =	vst v63  }
0x10d: {  	s15 =	simm.s32 $0xBA00  }
0x10e: {  	[tilespmem:s15], [sflag:$0x1] =	stream.indirect_vreg.gather [hbm4b:s6+s3], $0x80, v3, vm0, $0xb8;
	[tilespmem:$0x18200] =	vst v63  }
0x10f: {  	_ =	swait.ge [sflag:s12], $0xC000  }
0x110: {  	[sflag:s12] =	ssyncset.done $0x0  }
0x111: {  	[sflag:s12] =	ssyncadd.s32 $0xFFFF4000  }
0x112: {  	v3 =	vld [tilespmem:s13+$0xFFFFFFD0];
	_ =	sdelay $0x4  }
0x113: {  	v60 =	vshrl.u32 v3, $0x3  }
0x114: {  	v4 =	vmul.u32 $0x30, v60  }
0x115: {  	v3 =	vand.u32 $0x7, v3  }
0x116: {  	v3 =	vor.u32 v3, v4  }
0x117: {  	v4 =	vperm.xlane v3, v0;
	_ =	sdelay $0x1  }
0x118: {  	v4 =	vadd.s32 v1, v4;
	_ =	sdelay $0x3  }
0x119: {  	v3 =	vperm.xlane v3, v2  }
0x11a: {  	[tilespmem:s7], [sflag:$0x2] =	stream.indirect_vreg.gather [hbm4b:s2+s3], $0x80, v4, vm0, $0xb8;
	[tilespmem:$0x18200] =	vst v63  }
0x11b: {  	s15 =	simm.s32 $0xCA00;
	v3 =	vadd.s32 v1, v3  }
0x11c: {  	[tilespmem:s15], [sflag:$0x2] =	stream.indirect_vreg.gather [hbm4b:s5+s3], $0x80, v4, vm0, $0xb8;
	[tilespmem:$0x18200] =	vst v63  }
0x11d: {  	s15 =	simm.s32 $0xD200  }
0x11e: {  	[tilespmem:s15], [sflag:$0x2] =	stream.indirect_vreg.gather [hbm4b:s6+s3], $0x80, v4, vm0, $0xb8;
	[tilespmem:$0x18200] =	vst v63  }
0x11f: {  	s15 =	simm.s32 $0xDA00  }
0x120: {  	[tilespmem:s15], [sflag:$0x2] =	stream.indirect_vreg.gather [hbm4b:s2+s3], $0x80, v3, vm0, $0xb8;
	[tilespmem:$0x18200] =	vst v63  }
0x121: {  	s15 =	simm.s32 $0xE200  }
0x122: {  	[tilespmem:s15], [sflag:$0x2] =	stream.indirect_vreg.gather [hbm4b:s5+s3], $0x80, v3, vm0, $0xb8;
	[tilespmem:$0x18200] =	vst v63  }
0x123: {  	s15 =	simm.s32 $0xEA00  }
0x124: {  	[tilespmem:s15], [sflag:$0x2] =	stream.indirect_vreg.gather [hbm4b:s6+s3], $0x80, v3, vm0, $0xb8;
	[tilespmem:$0x18200] =	vst v63  }
0x125: {  	v3 =	vld [tilespmem:s13+$0xFFFFFFE0];
	_ =	sdelay $0x4  }
0x126: {  	v61 =	vshrl.u32 v3, $0x3  }
0x127: {  	v4 =	vmul.u32 $0x30, v61  }
0x128: {  	v3 =	vand.u32 $0x7, v3  }
0x129: {  	v3 =	vor.u32 v3, v4  }
0x12a: {  	v4 =	vperm.xlane v3, v0;
	_ =	sdelay $0x1  }
0x12b: {  	v4 =	vadd.s32 v1, v4;
	_ =	sdelay $0x3  }
0x12c: {  	s15 =	simm.s32 $0xF200;
	v3 =	vperm.xlane v3, v2  }
0x12d: {  	[tilespmem:s15], [sflag:$0x2] =	stream.indirect_vreg.gather [hbm4b:s2+s3], $0x80, v4, vm0, $0xb8;
	[tilespmem:$0x18200] =	vst v63  }
0x12e: {  	v3 =	vadd.s32 v1, v3  }
0x12f: {  	[tilespmem:s16], [sflag:$0x2] =	stream.indirect_vreg.gather [hbm4b:s5+s3], $0x80, v4, vm0, $0xb8;
	[tilespmem:$0x18200] =	vst v63  }
0x130: {  	_ = 	snop  }
0x131: {  	[tilespmem:s17], [sflag:$0x2] =	stream.indirect_vreg.gather [hbm4b:s6+s3], $0x80, v4, vm0, $0xb8;
	[tilespmem:$0x18200] =	vst v63  }
0x132: {  	_ = 	snop  }
0x133: {  	[tilespmem:s18], [sflag:$0x2] =	stream.indirect_vreg.gather [hbm4b:s2+s3], $0x80, v3, vm0, $0xb8;
	[tilespmem:$0x18200] =	vst v63  }
0x134: {  	_ = 	snop  }
0x135: {  	[tilespmem:s19], [sflag:$0x2] =	stream.indirect_vreg.gather [hbm4b:s5+s3], $0x80, v3, vm0, $0xb8;
	[tilespmem:$0x18200] =	vst v63  }
0x136: {  	_ = 	snop  }
0x137: {  	[tilespmem:s20], [sflag:$0x2] =	stream.indirect_vreg.gather [hbm4b:s6+s3], $0x80, v3, vm0, $0xb8;
	[tilespmem:$0x18200] =	vst v63  }
0x138: {  	v3 =	vld [tilespmem:s13+$0xFFFFFFF0];
	_ =	sdelay $0x4  }
0x139: {  	v62 =	vshrl.u32 v3, $0x3  }
0x13a: {  	v4 =	vmul.u32 $0x30, v62  }
0x13b: {  	v3 =	vand.u32 $0x7, v3  }
0x13c: {  	v3 =	vor.u32 v3, v4  }
0x13d: {  	v4 =	vperm.xlane v3, v0;
	_ =	sdelay $0x1  }
0x13e: {  	v4 =	vadd.s32 v1, v4;
	_ =	sdelay $0x3  }
0x13f: {  	v3 =	vperm.xlane v3, v2  }
0x140: {  	[tilespmem:s21], [sflag:$0x2] =	stream.indirect_vreg.gather [hbm4b:s2+s3], $0x80, v4, vm0, $0xb8;
	[tilespmem:$0x18200] =	vst v63  }
0x141: {  	v3 =	vadd.s32 v1, v3  }
0x142: {  	[tilespmem:s22], [sflag:$0x2] =	stream.indirect_vreg.gather [hbm4b:s5+s3], $0x80, v4, vm0, $0xb8;
	[tilespmem:$0x18200] =	vst v63  }
0x143: {  	_ = 	snop  }
0x144: {  	[tilespmem:s23], [sflag:$0x2] =	stream.indirect_vreg.gather [hbm4b:s6+s3], $0x80, v4, vm0, $0xb8;
	[tilespmem:$0x18200] =	vst v63  }
0x145: {  	_ = 	snop  }
0x146: {  	[tilespmem:s24], [sflag:$0x2] =	stream.indirect_vreg.gather [hbm4b:s2+s3], $0x80, v3, vm0, $0xb8;
	[tilespmem:$0x18200] =	vst v63  }
0x147: {  	_ = 	snop  }
0x148: {  	[tilespmem:s25], [sflag:$0x2] =	stream.indirect_vreg.gather [hbm4b:s5+s3], $0x80, v3, vm0, $0xb8;
	[tilespmem:$0x18200] =	vst v63  }
0x149: {  	_ = 	snop  }
0x14a: {  	[tilespmem:s26], [sflag:$0x2] =	stream.indirect_vreg.gather [hbm4b:s6+s3], $0x80, v3, vm0, $0xb8;
	[tilespmem:$0x18200] =	vst v63  }
0x14b: {  	v3 =	vld [tilespmem:s13+$0x0];
	_ =	sdelay $0x4  }
0x14c: {  	v63 =	vshrl.u32 v3, $0x3  }
0x14d: {  	v4 =	vmul.u32 $0x30, v63  }
0x14e: {  	v3 =	vand.u32 $0x7, v3  }
0x14f: {  	v3 =	vor.u32 v3, v4  }
0x150: {  	v4 =	vperm.xlane v3, v0;
	_ =	sdelay $0x1  }
0x151: {  	v4 =	vadd.s32 v1, v4;
	_ =	sdelay $0x3  }
0x152: {  	v3 =	vperm.xlane v3, v2  }
0x153: {  	[tilespmem:s28], [sflag:$0x2] =	stream.indirect_vreg.gather [hbm4b:s2+s3], $0x80, v4, vm0, $0xb8;
	[tilespmem:$0x18200] =	vst v63  }
0x154: {  	v3 =	vadd.s32 v1, v3  }
0x155: {  	[tilespmem:s29], [sflag:$0x2] =	stream.indirect_vreg.gather [hbm4b:s5+s3], $0x80, v4, vm0, $0xb8;
	[tilespmem:$0x18200] =	vst v63  }
0x156: {  	_ = 	snop  }
0x157: {  	[tilespmem:s30], [sflag:$0x2] =	stream.indirect_vreg.gather [hbm4b:s6+s3], $0x80, v4, vm0, $0xb8;
	[tilespmem:$0x18200] =	vst v63  }
0x158: {  	_ = 	snop  }
0x159: {  	[tilespmem:s31], [sflag:$0x2] =	stream.indirect_vreg.gather [hbm4b:s2+s3], $0x80, v3, vm0, $0xb8;
	[tilespmem:$0x18200] =	vst v63  }
.Ltmp3:
0x15a: {  	_ = 	snop;
	(pc) =	sbr.rel .LBB2_2-.Ltmp3, $4  }
0x15b: {  	_ = 	snop  }
0x15c: {  	[tilespmem:s1], [sflag:$0x2] =	stream.indirect_vreg.gather [hbm4b:s5+s3], $0x80, v3, vm0, $0xb8;
	[tilespmem:$0x18200] =	vst v63  }
0x15d: {  	s14 =	sadd.s32 $0x3000, s14;
	s13 =	sadd.s32 $0x80, s13  }
0x15e: {  	[tilespmem:s0], [sflag:$0x2] =	stream.indirect_vreg.gather [hbm4b:s6+s3], $0x80, v3, vm0, $0xb8;
	[tilespmem:$0x18200] =	vst v63  }
.LBB2_5:
0x15f: {  	_ =	sfence.sel $0x180000  }
0x160: {  	[bflag:$0x0] =	sbarrier.arrive $0xFFFF  }
0x161: {  	_ =	strace $0x9000004A  }
0x162: {  	s0 =	stileid.u32;
	[bflag:$0x2] =	sbarrier.arrive $0xFFFF  }
0x163: {  	p0 =	sne.s32 s0, $0x0;
	s0 =	rddreg [dreg:$0x2]  }
0x164: {  	s0 =	sadd.s32 @!p0 $0x100000, s0  }
0x165: {  	[sflag:s0] =	ssyncadd.tile.s32 @!p0 $0x1;
	_ =	shalt  }
.Lfunc_end2:
_tile_overlayer_lowered:
.L_overlay_start_2:
0x166: {  	(tag) =	ssettag $0x2  }
0x167: {  	s0 =	rddreg [dreg:$0x0];
	s2 =	stileid.u32  }
0x168: {  	s1 =	rddreg [dreg:$0x1];
	p0 =	sne.s32 s2, $0x0  }
0x169: {  	s3 =	rddreg [dreg:$0x2];
	[bflag:$0x3] =	sbarrier.arrive $0xFFFF;
	s2 =	simm.s32 @!p0 $0x1C05  }
0x16a: {  	[timem:s3], [sflag:s2] =	dma.local @!p0 [hbm:s0], s1  }
0x16b: {  	s0 =	simm.s32 @!p0 $0x5  }
0x16c: {  	_ =	swait.ge @!p0 [sflag:s0], s1  }
0x16d: {  	s1 =	ssub.s32 @!p0 $0x0, s1;
	[sflag:s0] =	ssyncset.done @!p0 $0x0  }
0x16e: {  	[sflag:s0] =	ssyncadd.s32 @!p0 s1  }
0x16f: {  	[bflag:$0x3] =	sbarrier.arrive $0xFFFF  }
0x170: {  	_ =	shalt  }

// kernel: kernel.7.cloned.1.call-start
scs
__scs_entry_jumppad:
0x0: {  	(pc) =	sbr.rel $0x88, $3  }
0x1: {  	(tag) =	ssettag $0x0;
	lr =	simm.s32 $0x1  }
0x2: {  	[smem:$0x3F90] =	sst lr;
	_ =	strace $0xD0000000  }
0x3: {  	_ = 	snop  }
0x4: {  	_ = 	snop  }
0x5: {  	_ = 	snop  }
0x6: {  	_ = 	snop  }
0x7: {  	_ = 	snop  }
__scs_overlays_trampoline_lowered:
0x8: {  	[smem:$0x3F9F] =	sst s0  }
0x9: {  	[smem:$0x3FA0] =	sst s1  }
0xa: {  	[smem:$0x3FA1] =	sst s2  }
0xb: {  	[smem:$0x3FA2] =	sst s3  }
0xc: {  	[smem:$0x3FA3] =	sst s4  }
0xd: {  	[smem:$0x3FA4] =	sst s5  }
0xe: {  	[smem:$0x3FA5] =	sst s6  }
0xf: {  	[smem:$0x3FA6] =	sst s7  }
0x10: {  	[smem:$0x3FA7] =	sst s8  }
0x11: {  	[smem:$0x3FA8] =	sst s9;
	s0 =	simm.s32 @!p0 $0x0  }
0x12: {  	s1 =	sld [smem:$0x3F8E];
	s0 =	simm.s32 @p0 $0x1  }
0x13: {  	[smem:$0x3FA9] =	sst s0;
	s0 =	simm.s32 @!p1 $0x0  }
0x14: {  	s2 =	sld [smem:$0x3F8D];
	s0 =	simm.s32 @p1 $0x1  }
0x15: {  	[smem:$0x3FAA] =	sst s0;
	s0 =	simm.s32 @!p2 $0x0  }
0x16: {  	s3 =	sld [smem:$0x3FDB];
	s0 =	simm.s32 @p2 $0x1  }
0x17: {  	s4 =	simm.s32 $0x1BF5;
	[smem:$0x3FAC] =	sst s0  }
0x18: {  	s0 =	sld [smem:$0x3F8F];
	_ =	swait.ge [sflag:s4], $0x0  }
0x19: {  	s7 =	sld [smem:$0x3F90]  }
0x1a: {  	s8 =	sadd.s32 $0xFFFFE003, lr  }
0x1b: {  	s9 =	sadd.s32 $0xFFFFFEF7, lr;
	s5 =	simm.s32 $0xFFFFFFFF;
	p2 =	slt.u32 s8, $0xFFFFF086  }
0x1c: {  	p1 =	slt.u32 s9, $0xF7A;
	s5 =	simm.s32 @!p2 $0x0  }
0x1d: {  	s5 =	simm.s32 @p1 $0x1;
	p0 =	seq.s32 s7, s2  }
0x1e: {  	s7 =	smul.u32 @!p0 $0xF7A, s2;
	p2 =	seq.s32 @!p0 s5, $0x0  }
0x1f: {  	s9 =	smul.u32 $0xF7A, s1;
	s8 =	simm.s32 @!p0 $0x1BF5;
	p2 =	por !p2, p0  }
0x20: {  	[sflag:s8] =	ssyncset.s32 @!p0 $0xFFFFF086;
	s6 =	sadd.s32 @!p0 s3, s7;
	s7 =	simm.s32 @!p0 $0x108  }
0x21: {  	s3 =	sadd.s32 s3, s9;
	s6 =	sadd.s32 @!p0 $0x88, s6;
	s7 =	simm.s32 @p2 $0x1082  }
0x22: {  	[simem:s7], [sflag:s8] =	dma.local @!p0 [hbm:s6], $0xF7A  }
0x23: {  	s9 =	sor.u32 $0xD0000000, s2;
	s6 =	simm.s32 $0x108;
	_ =	swait.ge @!p0 [sflag:s8], $0x0  }
0x24: {  	s3 =	sadd.s32 $0x88, s3;
	s6 =	simm.s32 @!p1 $0x1082;
	[sflag:s4] =	ssyncset.s32 $0xFFFFF086  }
0x25: {  	[simem:s6], [sflag:s4] =	dma.local [hbm:s3], $0xF7A  }
0x26: {  	[smem:$0x3F90] =	sst s1;
	(tag) =	ssettag s2;
	_ =	strace s9  }
0x27: {  	s1 =	sld [smem:$0x3FA0]  }
0x28: {  	s2 =	sld [smem:$0x3FA1]  }
0x29: {  	s4 =	sld [smem:$0x3FA3]  }
0x2a: {  	p0 =	seq.s32 s5, $0x0;
	s5 =	sld [smem:$0x3FA4]  }
0x2b: {  	s6 =	sld [smem:$0x3FA5]  }
0x2c: {  	s7 =	sld [smem:$0x3FA6]  }
0x2d: {  	s3 =	simm.s32 $0x108;
	s8 =	sld [smem:$0x3FA7]  }
0x2e: {  	s3 =	simm.s32 @!p0 $0x1082;
	s9 =	sld [smem:$0x3FA8]  }
0x2f: {  	lr =	sadd.s32 s0, s3;
	s0 =	sld [smem:$0x3F9F]  }
0x30: {  	s3 =	sld [smem:$0x3FA2]  }
0x31: {  	[smem:$0x3FAB] =	sst s10  }
0x32: {  	s10 =	sld [smem:$0x3FA9];
	_ =	sdelay $0x3  }
0x33: {  	p0 =	seq.s32 s10, $0x1;
	s10 =	sld [smem:$0x3FAB];
	_ =	sdelay $0x3  }
0x34: {  	[smem:$0x3FAB] =	sst s10  }
0x35: {  	s10 =	sld [smem:$0x3FAA];
	_ =	sdelay $0x3  }
0x36: {  	p1 =	seq.s32 s10, $0x1;
	s10 =	sld [smem:$0x3FAB];
	_ =	sdelay $0x3  }
0x37: {  	[smem:$0x3FAB] =	sst s10  }
0x38: {  	s10 =	sld [smem:$0x3FAC]  }
0x39: {  	_ = 	snop;
	(pc) =	sbr.ind lr, $3  }
0x3a: {  	_ = 	snop  }
0x3b: {  	_ = 	snop  }
0x3c: {  	p2 =	seq.s32 s10, $0x1;
	s10 =	sld [smem:$0x3FAB]  }
0x3d: {  	_ =	shalt  }
0x3e: {  	_ =	shalt  }
0x3f: {  	_ =	shalt  }
0x40: {  	_ =	shalt  }
0x41: {  	_ =	shalt  }
0x42: {  	_ =	shalt  }
0x43: {  	_ =	shalt  }
0x44: {  	_ =	shalt  }
0x45: {  	_ =	shalt  }
0x46: {  	_ =	shalt  }
0x47: {  	_ =	shalt  }
0x48: {  	_ =	shalt  }
0x49: {  	_ =	shalt  }
0x4a: {  	_ =	shalt  }
0x4b: {  	_ =	shalt  }
0x4c: {  	_ =	shalt  }
0x4d: {  	_ =	shalt  }
0x4e: {  	_ =	shalt  }
0x4f: {  	_ =	shalt  }
0x50: {  	_ =	shalt  }
0x51: {  	_ =	shalt  }
0x52: {  	_ =	shalt  }
0x53: {  	_ =	shalt  }
0x54: {  	_ =	shalt  }
0x55: {  	_ =	shalt  }
0x56: {  	_ =	shalt  }
0x57: {  	_ =	shalt  }
0x58: {  	_ =	shalt  }
0x59: {  	_ =	shalt  }
0x5a: {  	_ =	shalt  }
0x5b: {  	_ =	shalt  }
0x5c: {  	_ =	shalt  }
0x5d: {  	_ =	shalt  }
0x5e: {  	_ =	shalt  }
0x5f: {  	_ =	shalt  }
0x60: {  	_ =	shalt  }
0x61: {  	_ =	shalt  }
0x62: {  	_ =	shalt  }
0x63: {  	_ =	shalt  }
0x64: {  	_ =	shalt  }
0x65: {  	_ =	shalt  }
0x66: {  	_ =	shalt  }
0x67: {  	_ =	shalt  }
0x68: {  	_ =	shalt  }
0x69: {  	_ =	shalt  }
0x6a: {  	_ =	shalt  }
0x6b: {  	_ =	shalt  }
0x6c: {  	_ =	shalt  }
0x6d: {  	_ =	shalt  }
0x6e: {  	_ =	shalt  }
0x6f: {  	_ =	shalt  }
0x70: {  	_ =	shalt  }
0x71: {  	_ =	shalt  }
0x72: {  	_ =	shalt  }
0x73: {  	_ =	shalt  }
0x74: {  	_ =	shalt  }
0x75: {  	_ =	shalt  }
0x76: {  	_ =	shalt  }
0x77: {  	_ =	shalt  }
0x78: {  	_ =	shalt  }
0x79: {  	_ =	shalt  }
0x7a: {  	_ =	shalt  }
0x7b: {  	_ =	shalt  }
0x7c: {  	_ =	shalt  }
0x7d: {  	_ =	shalt  }
0x7e: {  	_ =	shalt  }
0x7f: {  	_ =	shalt  }
0x80: {  	_ =	shalt  }
0x81: {  	_ =	shalt  }
0x82: {  	_ =	shalt  }
0x83: {  	_ =	shalt  }
0x84: {  	_ =	shalt  }
0x85: {  	_ =	shalt  }
0x86: {  	_ =	shalt  }
0x87: {  	_ =	shalt  }
.Lfunc_end0:
.L_simem_size_0:
called_computation_lowered:
.L_overlay_start_0:
0x88: {  	s2 =	sld [smem:$0x3FD9]  }
0x89: {  	s3 =	sld [smem:$0x3FFE];
	_ =	sdelay $0x1  }
0x8a: {  	s1 =	srdreg.scid  }
0x8b: {  	s0 =	sand.u32 $0x1, s1  }
0x8c: {  	s17 =	sshll.u32 s0, $0xA;
	s2 =	sadd.s32 s3, s2  }
0x8d: {  	s2 =	sadd.s32 s2, s17  }
0x8e: {  	[smem:$0x3FB7] =	sst s2  }
0x8f: {  	_ = 	snop  }
0x90: {  	s2 =	sld [smem:$0x3FC3];
	(tm) =	ssettm $0x1  }
0x91: {  	s18 =	sld [smem:$0x3FFB];
	_ =	sdelay $0x3  }
0x92: {  	_ =	strace s18  }
0x93: {  	s3 =	sld [smem:$0x3FFC];
	_ =	sdelay $0x3  }
0x94: {  	_ =	strace s3  }
0x95: {  	s3 =	sld [smem:$0x3FFD];
	_ =	sdelay $0x3  }
0x96: {  	_ =	strace s3  }
0x97: {  	_ =	strace $0x8FFFFFFF  }
0x98: {  	s19 =	sld [smem:$0x3FDB];
	_ =	sdelay $0x1  }
0x99: {  	s4 =	simm.s32 $_scs_section_size  }
0x9a: {  	s5 =	simm.s32 $_size__tile_overlayer_lowered;
	s6 =	simm.s32 $_tile_overlayer_lowered  }
0x9b: {  	s22 =	simm.s32 $0x1BFF;
	s21 =	sshll.u32 s6, $0x1;
	s3 =	sadd.s32 s4, s19  }
0x9c: {  	s7 =	simm.s32 $0x0;
	s20 =	sshll.u32 s5, $0x1;
	s5 =	sadd.s32 s21, s3  }
0x9d: {  	[timem:s7], [sflag:s22] =	dma.local [hbm:s5], s20  }
0x9e: {  	_ =	swait.ge [sflag:s22], s20  }
0x9f: {  	s4 =	ssub.s32 $0x0, s20;
	[sflag:s22] =	ssyncset.done $0x0  }
0xa0: {  	[sflag:s22] =	ssyncadd.s32 s4;
	_ =	sdelay $0x1  }
0xa1: {  	s23 =	simm.s32 $0x1B8B  }
0xa2: {  	_ =	swait.ge [sflag:s23], $0x1  }
0xa3: {  	[sflag:s23] =	ssyncset.done $0x0  }
0xa4: {  	s25 =	simm.s32 $0x1B8E;
	s24 =	sld [smem:$0x3FFE];
	[sflag:s23] =	ssyncadd.s32 $0xFFFFFFFF  }
0xa5: {  	s26 =	simm.s32 $execute0_lowered;
	[smem:$0x3FD2] =	sst s25  }
0xa6: {  	s5 =	sshll.u32 s26, $0x1;
	_ =	strace $0x80000046;
	[dreg:$0x1] =	wrdreg $0xFFFFFFFF  }
0xa7: {  	s28 =	simm.s32 $_size_execute0_lowered;
	s3 =	sadd.s32 s3, s5;
	[dreg:$0x0] =	wrdreg $0x0  }
0xa8: {  	s5 =	sshll.u32 s28, $0x1;
	[dreg:$0x2] =	wrdreg s3  }
0xa9: {  	[dreg:$0x3] =	wrdreg s5  }
0xaa: {  	[dreg:$0x4] =	wrdreg $0xC0  }
0xab: {  	_ =	task [dreg:s7], $0x5FFFF  }
0xac: {  	[dreg:$0x1] =	wrdreg $0xFFFFFFFF  }
0xad: {  	[dreg:$0x0] =	wrdreg $0x60  }
0xae: {  	[dreg:$0x2] =	wrdreg s2  }
0xaf: {  	[dreg:$0x3] =	wrdreg s24  }
0xb0: {  	[dreg:$0x4] =	wrdreg $0x9  }
0xb1: {  	_ =	task.clear_ibuf [dreg:s7], $0x5FFFF;
	_ =	strace $0x90000046  }
0xb2: {  	s29 =	simm.s32 $0x9;
	_ =	strace $0x80000048  }
0xb3: {  	_ =	swait.ge [sflag:s29], $0x1  }
0xb4: {  	[sflag:s29] =	ssyncadd.s32 $0xFFFFFFFF  }
0xb5: {  	_ =	strace $0x90000048  }
0xb6: {  	_ =	sfence  }
0xb7: {  	s30 =	sld [smem:$0x0];
	_ =	sdelay $0x2  }
0xb8: {  	s31 =	sshll.u32 s1, $0xD;
	s1 =	sshrl.u32 s1, $0x2  }
0xb9: {  	s3 =	sand.u32 $0x4000, s31;
	s1 =	sadd.s32 s1, s30  }
0xba: {  	s0 =	sor.u32 s3, s0;
	s1 =	sshll.u32 s1, $0x11  }
0xbb: {  	s0 =	sor.u32 s1, s0  }
0xbc: {  	s0 =	sadd.s32 $0x8F2B, s0  }
0xbd: {  	[sflag:s0] =	ssyncadd.remote.s32 $0x1  }
0xbe: {  	_ =	sfence.sel $0xFFFF  }
0xbf: {  	[dreg:$0x0] =	wrdreg $0xFFFFFFFF;
	(pc) =	sbr.abs _section_cstart, $3  }
0xc0: {  	[dreg:$0x1] =	wrdreg $0xFFFFFFFF  }
0xc1: {  	_ =	task.clear_ibuf [dreg:s7], $0x2FFFF;
	_ =	strace $0x9FFFFFFF  }
0xc2: {  	(tm) =	ssettm $0x7FFFFFFF  }
0xc3: {  	_ =	shalt  }
tec
execute0_lowered:
.L_overlay_start_1:
0x0: {  	(tag) =	ssettag $0x1  }
0x1: {  	s0 =	srdreg.scid;
	s2 =	rddreg [dreg:$0x0]  }
0x2: {  	s1 =	stileid.u32;
	s4 =	rddreg [dreg:$0x1];
	s10 =	simm.s32 $0x200  }
0x3: {  	s7 =	simm.s32 $0xC200;
	s16 =	simm.s32 $0xFA00;
	s17 =	simm.s32 $0x10200  }
0x4: {  	s18 =	simm.s32 $0x10A00;
	s19 =	simm.s32 $0x11200;
	s20 =	simm.s32 $0x11A00  }
0x5: {  	s21 =	simm.s32 $0x12200;
	s22 =	simm.s32 $0x12A00;
	s23 =	simm.s32 $0x13200  }
0x6: {  	s24 =	simm.s32 $0x13A00;
	s25 =	simm.s32 $0x14200;
	s28 =	simm.s32 $0x15200  }
0x7: {  	s29 =	simm.s32 $0x15A00;
	s30 =	simm.s32 $0x16200;
	s31 =	simm.s32 $0x16A00  }
0x8: {  	s9 =	simm.s32 $0x2;
	s11 =	simm.s32 $0x3;
	s0 =	sand.u32 $0x1, s0  }
0x9: {  	s12 =	simm.s32 $0x4;
	s1 =	sshll.u32 s1, $0xA;
	s3 =	sshll.u32 s0, $0x9  }
0xa: {  	s14 =	simm.s32 $0x0;
	s6 =	sadd.s32 $0x200, s2;
	s1 =	sor.u32 s3, s1  }
0xb: {  	s0 =	ssub.s32 $0x2, s0;
	s3 =	simm.s32 $0x0;
	s1 =	sshrl.u32 s1, $0x3  }
0xc: {  	s26 =	sshrl.u32 s0, $0x1;
	[smem:$0x7FF] =	sst s3;
	s5 =	smul.u32 $0x300, s1  }
.Ltmp0:
0xd: {  	s0 =	ssub.s32 s0, s26;
	s26 =	simm.s32 $0x14A00;
	(pc) =	sbr.rel .LBB2_1-.Ltmp0, $4  }
0xe: {  	_ =	strace $0x80000047;
	s1 =	sadd.s32 s1, s4;
	s0 =	smax.u32 s0, $0x1  }
0xf: {  	v2 =	vlaneseq.u32;
	s1 =	sadd.s32 $0x2600, s1;
	[dreg:$0x4] =	wrdreg s0;
	s0 =	simm.s32 $0x17A00  }
0x10: {  	vm0 =	vmmov $0xffff;
	v1 =	vshrl.u32 v2, $0x3;
	s4 =	sadd.s32 s5, s4;
	[dreg:$0x3] =	wrdreg s1;
	s5 =	sadd.s32 $0x100, s2  }
0x11: {  	v0 =	vand.u32 $0x7, v2;
	v2 =	vor.u32 $0x8, v2;
	v1 =	vmul.u32 $0x8, v1;
	s1 =	simm.s32 $0x17200;
	s8 =	sadd.s32 $0x2E00, s4;
	s4 =	simm.s32 $0x1  }
.LBB2_4:
0x12: {  	_ =	swait.ge [sflag:s12], $0xC000  }
0x13: {  	s14 =	rddreg [dreg:$0x5]  }
0x14: {  	s13 =	rddreg [dreg:$0x4];
	s14 =	sadd.s32 $0x1, s14  }
0x15: {  	p0 =	sne.s32 s14, s13  }
.Ltmp1:
0x16: {  	_ = 	snop;
	(pc) =	sbr.rel @!p0 .LBB2_5-.Ltmp1, $3  }
0x17: {  	_ =	sdelay $0x1  }
0x18: {  	[sflag:s12] =	ssyncset.done $0x0  }
0x19: {  	[sflag:s12] =	ssyncadd.s32 $0xFFFF4000  }
.LBB2_1:
0x1a: {  	[dreg:$0x5] =	wrdreg s14  }
0x1b: {  	s13 =	rddreg [dreg:$0x3];
	s14 =	simm.s32 $0x5  }
0x1c: {  	[tilespmem:s3], [sflag:$0x5] =	stream.linear.gather [hbm4b:s13+s3], $0x200, $0x38;
	[tilespmem:$0x18200] =	vst v63  }
0x1d: {  	_ =	swait.ge [sflag:s14], $0x200  }
0x1e: {  	[sflag:s14] =	ssyncset.done $0x0  }
0x1f: {  	[sflag:s14] =	ssyncadd.s32 $0xFFFFFE00  }
0x20: {  	v3 =	vld [tilespmem:$0x0];
	_ =	sdelay $0x4  }
0x21: {  	v4 =	vshrl.u32 v3, $0x3  }
0x22: {  	v4 =	vmul.u32 $0x30, v4  }
0x23: {  	v3 =	vand.u32 $0x7, v3  }
0x24: {  	v3 =	vor.u32 v3, v4  }
0x25: {  	v4 =	vperm.xlane v3, v0;
	_ =	sdelay $0x1  }
0x26: {  	v4 =	vadd.s32 v1, v4;
	_ =	sdelay $0x3  }
0x27: {  	v3 =	vperm.xlane v3, v2  }
0x28: {  	[tilespmem:s10], [sflag:$0x1] =	stream.indirect_vreg.gather [hbm4b:s2+s3], $0x80, v4, vm0, $0xb8;
	[tilespmem:$0x18200] =	vst v63  }
0x29: {  	s15 =	simm.s32 $0xA00;
	v3 =	vadd.s32 v1, v3  }
0x2a: {  	[tilespmem:s15], [sflag:$0x1] =	stream.indirect_vreg.gather [hbm4b:s5+s3], $0x80, v4, vm0, $0xb8;
	[tilespmem:$0x18200] =	vst v63  }
0x2b: {  	s14 =	simm.s32 $0x1200  }
0x2c: {  	[tilespmem:s14], [sflag:$0x1] =	stream.indirect_vreg.gather [hbm4b:s6+s3], $0x80, v4, vm0, $0xb8;
	[tilespmem:$0x18200] =	vst v63  }
0x2d: {  	s15 =	simm.s32 $0x1A00  }
0x2e: {  	[tilespmem:s15], [sflag:$0x1] =	stream.indirect_vreg.gather [hbm4b:s2+s3], $0x80, v3, vm0, $0xb8;
	[tilespmem:$0x18200] =	vst v63  }
0x2f: {  	s14 =	simm.s32 $0x2200  }
0x30: {  	[tilespmem:s14], [sflag:$0x1] =	stream.indirect_vreg.gather [hbm4b:s5+s3], $0x80, v3, vm0, $0xb8;
	[tilespmem:$0x18200] =	vst v63  }
0x31: {  	s15 =	simm.s32 $0x2A00  }
0x32: {  	[tilespmem:s15], [sflag:$0x1] =	stream.indirect_vreg.gather [hbm4b:s6+s3], $0x80, v3, vm0, $0xb8;
	[tilespmem:$0x18200] =	vst v63  }
0x33: {  	v3 =	vld [tilespmem:$0x10];
	_ =	sdelay $0x4  }
0x34: {  	v57 =	vshrl.u32 v3, $0x3  }
0x35: {  	v4 =	vmul.u32 $0x30, v57  }
0x36: {  	v3 =	vand.u32 $0x7, v3  }
0x37: {  	v3 =	vor.u32 v3, v4  }
0x38: {  	v4 =	vperm.xlane v3, v0;
	_ =	sdelay $0x1  }
0x39: {  	v4 =	vadd.s32 v1, v4;
	_ =	sdelay $0x3  }
0x3a: {  	s14 =	simm.s32 $0x3200;
	v3 =	vperm.xlane v3, v2  }
0x3b: {  	[tilespmem:s14], [sflag:$0x1] =	stream.indirect_vreg.gather [hbm4b:s2+s3], $0x80, v4, vm0, $0xb8;
	[tilespmem:$0x18200] =	vst v63  }
0x3c: {  	s15 =	simm.s32 $0x3A00;
	v3 =	vadd.s32 v1, v3  }
0x3d: {  	[tilespmem:s15], [sflag:$0x1] =	stream.indirect_vreg.gather [hbm4b:s5+s3], $0x80, v4, vm0, $0xb8;
	[tilespmem:$0x18200] =	vst v63  }
0x3e: {  	s14 =	simm.s32 $0x4200  }
0x3f: {  	[tilespmem:s14], [sflag:$0x1] =	stream.indirect_vreg.gather [hbm4b:s6+s3], $0x80, v4, vm0, $0xb8;
	[tilespmem:$0x18200] =	vst v63  }
0x40: {  	s15 =	simm.s32 $0x4A00  }
0x41: {  	[tilespmem:s15], [sflag:$0x1] =	stream.indirect_vreg.gather [hbm4b:s2+s3], $0x80, v3, vm0, $0xb8;
	[tilespmem:$0x18200] =	vst v63  }
0x42: {  	s14 =	simm.s32 $0x5200  }
0x43: {  	[tilespmem:s14], [sflag:$0x1] =	stream.indirect_vreg.gather [hbm4b:s5+s3], $0x80, v3, vm0, $0xb8;
	[tilespmem:$0x18200] =	vst v63  }
0x44: {  	s15 =	simm.s32 $0x5A00  }
0x45: {  	[tilespmem:s15], [sflag:$0x1] =	stream.indirect_vreg.gather [hbm4b:s6+s3], $0x80, v3, vm0, $0xb8;
	[tilespmem:$0x18200] =	vst v63  }
0x46: {  	v3 =	vld [tilespmem:$0x20];
	_ =	sdelay $0x4  }
0x47: {  	v58 =	vshrl.u32 v3, $0x3  }
0x48: {  	v4 =	vmul.u32 $0x30, v58  }
0x49: {  	v3 =	vand.u32 $0x7, v3  }
0x4a: {  	v3 =	vor.u32 v3, v4  }
0x4b: {  	v4 =	vperm.xlane v3, v0;
	_ =	sdelay $0x1  }
0x4c: {  	v4 =	vadd.s32 v1, v4;
	_ =	sdelay $0x3  }
0x4d: {  	s14 =	simm.s32 $0x6200;
	v3 =	vperm.xlane v3, v2  }
0x4e: {  	[tilespmem:s14], [sflag:$0x1] =	stream.indirect_vreg.gather [hbm4b:s2+s3], $0x80, v4, vm0, $0xb8;
	[tilespmem:$0x18200] =	vst v63  }
0x4f: {  	s15 =	simm.s32 $0x6A00;
	v3 =	vadd.s32 v1, v3  }
0x50: {  	[tilespmem:s15], [sflag:$0x1] =	stream.indirect_vreg.gather [hbm4b:s5+s3], $0x80, v4, vm0, $0xb8;
	[tilespmem:$0x18200] =	vst v63  }
0x51: {  	s14 =	simm.s32 $0x7200  }
0x52: {  	[tilespmem:s14], [sflag:$0x1] =	stream.indirect_vreg.gather [hbm4b:s6+s3], $0x80, v4, vm0, $0xb8;
	[tilespmem:$0x18200] =	vst v63  }
0x53: {  	s15 =	simm.s32 $0x7A00  }
0x54: {  	[tilespmem:s15], [sflag:$0x1] =	stream.indirect_vreg.gather [hbm4b:s2+s3], $0x80, v3, vm0, $0xb8;
	[tilespmem:$0x18200] =	vst v63  }
0x55: {  	s14 =	simm.s32 $0x8200  }
0x56: {  	[tilespmem:s14], [sflag:$0x1] =	stream.indirect_vreg.gather [hbm4b:s5+s3], $0x80, v3, vm0, $0xb8;
	[tilespmem:$0x18200] =	vst v63  }
0x57: {  	s15 =	simm.s32 $0x8A00  }
0x58: {  	[tilespmem:s15], [sflag:$0x1] =	stream.indirect_vreg.gather [hbm4b:s6+s3], $0x80, v3, vm0, $0xb8;
	[tilespmem:$0x18200] =	vst v63  }
0x59: {  	v3 =	vld [tilespmem:$0x30];
	_ =	sdelay $0x4  }
0x5a: {  	v59 =	vshrl.u32 v3, $0x3  }
0x5b: {  	v4 =	vmul.u32 $0x30, v59  }
0x5c: {  	v3 =	vand.u32 $0x7, v3  }
0x5d: {  	v3 =	vor.u32 v3, v4  }
0x5e: {  	v4 =	vperm.xlane v3, v0;
	_ =	sdelay $0x1  }
0x5f: {  	v4 =	vadd.s32 v1, v4;
	_ =	sdelay $0x3  }
0x60: {  	s14 =	simm.s32 $0x9200;
	v3 =	vperm.xlane v3, v2  }
0x61: {  	[tilespmem:s14], [sflag:$0x1] =	stream.indirect_vreg.gather [hbm4b:s2+s3], $0x80, v4, vm0, $0xb8;
	[tilespmem:$0x18200] =	vst v63  }
0x62: {  	s15 =	simm.s32 $0x9A00;
	v3 =	vadd.s32 v1, v3  }
0x63: {  	[tilespmem:s15], [sflag:$0x1] =	stream.indirect_vreg.gather [hbm4b:s5+s3], $0x80, v4, vm0, $0xb8;
	[tilespmem:$0x18200] =	vst v63  }
0x64: {  	s14 =	simm.s32 $0xA200  }
0x65: {  	[tilespmem:s14], [sflag:$0x1] =	stream.indirect_vreg.gather [hbm4b:s6+s3], $0x80, v4, vm0, $0xb8;
	[tilespmem:$0x18200] =	vst v63  }
0x66: {  	s15 =	simm.s32 $0xAA00  }
0x67: {  	[tilespmem:s15], [sflag:$0x1] =	stream.indirect_vreg.gather [hbm4b:s2+s3], $0x80, v3, vm0, $0xb8;
	[tilespmem:$0x18200] =	vst v63  }
0x68: {  	s14 =	simm.s32 $0xB200  }
0x69: {  	[tilespmem:s14], [sflag:$0x1] =	stream.indirect_vreg.gather [hbm4b:s5+s3], $0x80, v3, vm0, $0xb8;
	[tilespmem:$0x18200] =	vst v63  }
0x6a: {  	s15 =	simm.s32 $0xBA00  }
0x6b: {  	[tilespmem:s15], [sflag:$0x1] =	stream.indirect_vreg.gather [hbm4b:s6+s3], $0x80, v3, vm0, $0xb8;
	[tilespmem:$0x18200] =	vst v63  }
0x6c: {  	v3 =	vld [tilespmem:$0x40];
	_ =	sdelay $0x4  }
0x6d: {  	v60 =	vshrl.u32 v3, $0x3  }
0x6e: {  	v4 =	vmul.u32 $0x30, v60  }
0x6f: {  	v3 =	vand.u32 $0x7, v3  }
0x70: {  	v3 =	vor.u32 v3, v4  }
0x71: {  	v4 =	vperm.xlane v3, v0;
	_ =	sdelay $0x1  }
0x72: {  	v4 =	vadd.s32 v1, v4;
	_ =	sdelay $0x3  }
0x73: {  	v3 =	vperm.xlane v3, v2  }
0x74: {  	[tilespmem:s7], [sflag:$0x2] =	stream.indirect_vreg.gather [hbm4b:s2+s3], $0x80, v4, vm0, $0xb8;
	[tilespmem:$0x18200] =	vst v63  }
0x75: {  	s14 =	simm.s32 $0xCA00;
	v3 =	vadd.s32 v1, v3  }
0x76: {  	[tilespmem:s14], [sflag:$0x2] =	stream.indirect_vreg.gather [hbm4b:s5+s3], $0x80, v4, vm0, $0xb8;
	[tilespmem:$0x18200] =	vst v63  }
0x77: {  	s15 =	simm.s32 $0xD200  }
0x78: {  	[tilespmem:s15], [sflag:$0x2] =	stream.indirect_vreg.gather [hbm4b:s6+s3], $0x80, v4, vm0, $0xb8;
	[tilespmem:$0x18200] =	vst v63  }
0x79: {  	s14 =	simm.s32 $0xDA00  }
0x7a: {  	[tilespmem:s14], [sflag:$0x2] =	stream.indirect_vreg.gather [hbm4b:s2+s3], $0x80, v3, vm0, $0xb8;
	[tilespmem:$0x18200] =	vst v63  }
0x7b: {  	s15 =	simm.s32 $0xE200  }
0x7c: {  	[tilespmem:s15], [sflag:$0x2] =	stream.indirect_vreg.gather [hbm4b:s5+s3], $0x80, v3, vm0, $0xb8;
	[tilespmem:$0x18200] =	vst v63  }
0x7d: {  	s14 =	simm.s32 $0xEA00  }
0x7e: {  	[tilespmem:s14], [sflag:$0x2] =	stream.indirect_vreg.gather [hbm4b:s6+s3], $0x80, v3, vm0, $0xb8;
	[tilespmem:$0x18200] =	vst v63  }
0x7f: {  	v3 =	vld [tilespmem:$0x50];
	_ =	sdelay $0x4  }
0x80: {  	v61 =	vshrl.u32 v3, $0x3  }
0x81: {  	v4 =	vmul.u32 $0x30, v61  }
0x82: {  	v3 =	vand.u32 $0x7, v3  }
0x83: {  	v3 =	vor.u32 v3, v4  }
0x84: {  	v4 =	vperm.xlane v3, v0;
	_ =	sdelay $0x1  }
0x85: {  	v4 =	vadd.s32 v1, v4;
	_ =	sdelay $0x3  }
0x86: {  	s15 =	simm.s32 $0xF200;
	v3 =	vperm.xlane v3, v2  }
0x87: {  	[tilespmem:s15], [sflag:$0x2] =	stream.indirect_vreg.gather [hbm4b:s2+s3], $0x80, v4, vm0, $0xb8;
	[tilespmem:$0x18200] =	vst v63  }
0x88: {  	v3 =	vadd.s32 v1, v3  }
0x89: {  	[tilespmem:s16], [sflag:$0x2] =	stream.indirect_vreg.gather [hbm4b:s5+s3], $0x80, v4, vm0, $0xb8;
	[tilespmem:$0x18200] =	vst v63  }
0x8a: {  	_ = 	snop  }
0x8b: {  	[tilespmem:s17], [sflag:$0x2] =	stream.indirect_vreg.gather [hbm4b:s6+s3], $0x80, v4, vm0, $0xb8;
	[tilespmem:$0x18200] =	vst v63  }
0x8c: {  	_ = 	snop  }
0x8d: {  	[tilespmem:s18], [sflag:$0x2] =	stream.indirect_vreg.gather [hbm4b:s2+s3], $0x80, v3, vm0, $0xb8;
	[tilespmem:$0x18200] =	vst v63  }
0x8e: {  	_ = 	snop  }
0x8f: {  	[tilespmem:s19], [sflag:$0x2] =	stream.indirect_vreg.gather [hbm4b:s5+s3], $0x80, v3, vm0, $0xb8;
	[tilespmem:$0x18200] =	vst v63  }
0x90: {  	_ = 	snop  }
0x91: {  	[tilespmem:s20], [sflag:$0x2] =	stream.indirect_vreg.gather [hbm4b:s6+s3], $0x80, v3, vm0, $0xb8;
	[tilespmem:$0x18200] =	vst v63  }
0x92: {  	v3 =	vld [tilespmem:$0x60];
	_ =	sdelay $0x4  }
0x93: {  	v62 =	vshrl.u32 v3, $0x3  }
0x94: {  	v4 =	vmul.u32 $0x30, v62  }
0x95: {  	v3 =	vand.u32 $0x7, v3  }
0x96: {  	v3 =	vor.u32 v3, v4  }
0x97: {  	v4 =	vperm.xlane v3, v0;
	_ =	sdelay $0x1  }
0x98: {  	v4 =	vadd.s32 v1, v4;
	_ =	sdelay $0x3  }
0x99: {  	v3 =	vperm.xlane v3, v2  }
0x9a: {  	[tilespmem:s21], [sflag:$0x2] =	stream.indirect_vreg.gather [hbm4b:s2+s3], $0x80, v4, vm0, $0xb8;
	[tilespmem:$0x18200] =	vst v63  }
0x9b: {  	v3 =	vadd.s32 v1, v3  }
0x9c: {  	[tilespmem:s22], [sflag:$0x2] =	stream.indirect_vreg.gather [hbm4b:s5+s3], $0x80, v4, vm0, $0xb8;
	[tilespmem:$0x18200] =	vst v63  }
0x9d: {  	_ = 	snop  }
0x9e: {  	[tilespmem:s23], [sflag:$0x2] =	stream.indirect_vreg.gather [hbm4b:s6+s3], $0x80, v4, vm0, $0xb8;
	[tilespmem:$0x18200] =	vst v63  }
0x9f: {  	_ = 	snop  }
0xa0: {  	[tilespmem:s24], [sflag:$0x2] =	stream.indirect_vreg.gather [hbm4b:s2+s3], $0x80, v3, vm0, $0xb8;
	[tilespmem:$0x18200] =	vst v63  }
0xa1: {  	_ = 	snop  }
0xa2: {  	[tilespmem:s25], [sflag:$0x2] =	stream.indirect_vreg.gather [hbm4b:s5+s3], $0x80, v3, vm0, $0xb8;
	[tilespmem:$0x18200] =	vst v63  }
0xa3: {  	_ = 	snop  }
0xa4: {  	[tilespmem:s26], [sflag:$0x2] =	stream.indirect_vreg.gather [hbm4b:s6+s3], $0x80, v3, vm0, $0xb8;
	[tilespmem:$0x18200] =	vst v63  }
0xa5: {  	v3 =	vld [tilespmem:$0x70];
	_ =	sdelay $0x4  }
0xa6: {  	v63 =	vshrl.u32 v3, $0x3  }
0xa7: {  	v4 =	vmul.u32 $0x30, v63  }
0xa8: {  	v3 =	vand.u32 $0x7, v3  }
0xa9: {  	v3 =	vor.u32 v3, v4  }
0xaa: {  	v4 =	vperm.xlane v3, v0;
	_ =	sdelay $0x1  }
0xab: {  	v4 =	vadd.s32 v1, v4;
	_ =	sdelay $0x3  }
0xac: {  	v3 =	vperm.xlane v3, v2  }
0xad: {  	[tilespmem:s28], [sflag:$0x2] =	stream.indirect_vreg.gather [hbm4b:s2+s3], $0x80, v4, vm0, $0xb8;
	[tilespmem:$0x18200] =	vst v63  }
0xae: {  	v3 =	vadd.s32 v1, v3  }
0xaf: {  	[tilespmem:s29], [sflag:$0x2] =	stream.indirect_vreg.gather [hbm4b:s5+s3], $0x80, v4, vm0, $0xb8;
	[tilespmem:$0x18200] =	vst v63  }
0xb0: {  	_ = 	snop  }
0xb1: {  	[tilespmem:s30], [sflag:$0x2] =	stream.indirect_vreg.gather [hbm4b:s6+s3], $0x80, v4, vm0, $0xb8;
	[tilespmem:$0x18200] =	vst v63  }
0xb2: {  	_ = 	snop  }
0xb3: {  	[tilespmem:s31], [sflag:$0x2] =	stream.indirect_vreg.gather [hbm4b:s2+s3], $0x80, v3, vm0, $0xb8;
	[tilespmem:$0x18200] =	vst v63  }
0xb4: {  	_ = 	snop  }
0xb5: {  	[tilespmem:s1], [sflag:$0x2] =	stream.indirect_vreg.gather [hbm4b:s5+s3], $0x80, v3, vm0, $0xb8;
	[tilespmem:$0x18200] =	vst v63  }
0xb6: {  	s13 =	simm.s32 $0xF0;
	s14 =	simm.s32 $0x0  }
0xb7: {  	[tilespmem:s0], [sflag:$0x2] =	stream.indirect_vreg.gather [hbm4b:s6+s3], $0x80, v3, vm0, $0xb8;
	[tilespmem:$0x18200] =	vst v63  }
.LBB2_2:
0xb8: {  	_ =	swait.ge [sflag:s4], $0xC000  }
0xb9: {  	[sflag:s4] =	ssyncset.done $0x0  }
0xba: {  	s15 =	sadd.s32 s14, s8;
	[sflag:s4] =	ssyncadd.s32 $0xFFFF4000  }
0xbb: {  	[hbm4b:s15+s3] =	stream.linear.scatter [tilespmem:s10], [sflag:$0x3], $0xC000, $0x38;
	[tilespmem:$0x18200] =	vst v63  }
0xbc: {  	_ =	swait.ge [sflag:s9], $0xC000  }
0xbd: {  	p0 =	seq.s32 s14, $0x9000;
	[sflag:s9] =	ssyncset.done $0x0  }
.Ltmp2:
0xbe: {  	s15 =	sadd.s32 $0x1800, s15;
	[sflag:s9] =	ssyncadd.s32 $0xFFFF4000;
	(pc) =	sbr.rel @p0 .LBB2_4-.Ltmp2, $4  }
0xbf: {  	[hbm4b:s15+s3] =	stream.linear.scatter [tilespmem:s7], [sflag:$0x4], $0xC000, $0x38;
	[tilespmem:$0x18200] =	vst v63  }
0xc0: {  	_ =	swait.ge [sflag:s11], $0xC000  }
0xc1: {  	[sflag:s11] =	ssyncset.done $0x0  }
0xc2: {  	[sflag:s11] =	ssyncadd.s32 $0xFFFF4000  }
0xc3: {  	v3 =	vld [tilespmem:s13+$0xFFFFFF90];
	_ =	sdelay $0x4  }
0xc4: {  	v4 =	vshrl.u32 v3, $0x3  }
0xc5: {  	v4 =	vmul.u32 $0x30, v4  }
0xc6: {  	v3 =	vand.u32 $0x7, v3  }
0xc7: {  	v3 =	vor.u32 v3, v4  }
0xc8: {  	v4 =	vperm.xlane v3, v0;
	_ =	sdelay $0x1  }
0xc9: {  	v4 =	vadd.s32 v1, v4;
	_ =	sdelay $0x3  }
0xca: {  	v3 =	vperm.xlane v3, v2  }
0xcb: {  	[tilespmem:s10], [sflag:$0x1] =	stream.indirect_vreg.gather [hbm4b:s2+s3], $0x80, v4, vm0, $0xb8;
	[tilespmem:$0x18200] =	vst v63  }
0xcc: {  	s15 =	simm.s32 $0xA00;
	v3 =	vadd.s32 v1, v3  }
0xcd: {  	[tilespmem:s15], [sflag:$0x1] =	stream.indirect_vreg.gather [hbm4b:s5+s3], $0x80, v4, vm0, $0xb8;
	[tilespmem:$0x18200] =	vst v63  }
0xce: {  	s15 =	simm.s32 $0x1200  }
0xcf: {  	[tilespmem:s15], [sflag:$0x1] =	stream.indirect_vreg.gather [hbm4b:s6+s3], $0x80, v4, vm0, $0xb8;
	[tilespmem:$0x18200] =	vst v63  }
0xd0: {  	s15 =	simm.s32 $0x1A00  }
0xd1: {  	[tilespmem:s15], [sflag:$0x1] =	stream.indirect_vreg.gather [hbm4b:s2+s3], $0x80, v3, vm0, $0xb8;
	[tilespmem:$0x18200] =	vst v63  }
0xd2: {  	s15 =	simm.s32 $0x2200  }
0xd3: {  	[tilespmem:s15], [sflag:$0x1] =	stream.indirect_vreg.gather [hbm4b:s5+s3], $0x80, v3, vm0, $0xb8;
	[tilespmem:$0x18200] =	vst v63  }
0xd4: {  	s15 =	simm.s32 $0x2A00  }
0xd5: {  	[tilespmem:s15], [sflag:$0x1] =	stream.indirect_vreg.gather [hbm4b:s6+s3], $0x80, v3, vm0, $0xb8;
	[tilespmem:$0x18200] =	vst v63  }
0xd6: {  	v3 =	vld [tilespmem:s13+$0xFFFFFFA0];
	_ =	sdelay $0x4  }
0xd7: {  	v57 =	vshrl.u32 v3, $0x3  }
0xd8: {  	v4 =	vmul.u32 $0x30, v57  }
0xd9: {  	v3 =	vand.u32 $0x7, v3  }
0xda: {  	v3 =	vor.u32 v3, v4  }
0xdb: {  	v4 =	vperm.xlane v3, v0;
	_ =	sdelay $0x1  }
0xdc: {  	v4 =	vadd.s32 v1, v4;
	_ =	sdelay $0x3  }
0xdd: {  	s15 =	simm.s32 $0x3200;
	v3 =	vperm.xlane v3, v2  }
0xde: {  	[tilespmem:s15], [sflag:$0x1] =	stream.indirect_vreg.gather [hbm4b:s2+s3], $0x80, v4, vm0, $0xb8;
	[tilespmem:$0x18200] =	vst v63  }
0xdf: {  	v3 =	vadd.s32 v1, v3;
	s15 =	simm.s32 $0x3A00  }
0xe0: {  	[tilespmem:s15], [sflag:$0x1] =	stream.indirect_vreg.gather [hbm4b:s5+s3], $0x80, v4, vm0, $0xb8;
	[tilespmem:$0x18200] =	vst v63  }
0xe1: {  	s15 =	simm.s32 $0x4200  }
0xe2: {  	[tilespmem:s15], [sflag:$0x1] =	stream.indirect_vreg.gather [hbm4b:s6+s3], $0x80, v4, vm0, $0xb8;
	[tilespmem:$0x18200] =	vst v63  }
0xe3: {  	s15 =	simm.s32 $0x4A00  }
0xe4: {  	[tilespmem:s15], [sflag:$0x1] =	stream.indirect_vreg.gather [hbm4b:s2+s3], $0x80, v3, vm0, $0xb8;
	[tilespmem:$0x18200] =	vst v63  }
0xe5: {  	s15 =	simm.s32 $0x5200  }
0xe6: {  	[tilespmem:s15], [sflag:$0x1] =	stream.indirect_vreg.gather [hbm4b:s5+s3], $0x80, v3, vm0, $0xb8;
	[tilespmem:$0x18200] =	vst v63  }
0xe7: {  	s15 =	simm.s32 $0x5A00  }
0xe8: {  	[tilespmem:s15], [sflag:$0x1] =	stream.indirect_vreg.gather [hbm4b:s6+s3], $0x80, v3, vm0, $0xb8;
	[tilespmem:$0x18200] =	vst v63  }
0xe9: {  	v3 =	vld [tilespmem:s13+$0xFFFFFFB0];
	_ =	sdelay $0x4  }
0xea: {  	v58 =	vshrl.u32 v3, $0x3  }
0xeb: {  	v4 =	vmul.u32 $0x30, v58  }
0xec: {  	v3 =	vand.u32 $0x7, v3  }
0xed: {  	v3 =	vor.u32 v3, v4  }
0xee: {  	v4 =	vperm.xlane v3, v0;
	_ =	sdelay $0x1  }
0xef: {  	v4 =	vadd.s32 v1, v4;
	_ =	sdelay $0x3  }
0xf0: {  	s15 =	simm.s32 $0x6200;
	v3 =	vperm.xlane v3, v2  }
0xf1: {  	[tilespmem:s15], [sflag:$0x1] =	stream.indirect_vreg.gather [hbm4b:s2+s3], $0x80, v4, vm0, $0xb8;
	[tilespmem:$0x18200] =	vst v63  }
0xf2: {  	v3 =	vadd.s32 v1, v3;
	s15 =	simm.s32 $0x6A00  }
0xf3: {  	[tilespmem:s15], [sflag:$0x1] =	stream.indirect_vreg.gather [hbm4b:s5+s3], $0x80, v4, vm0, $0xb8;
	[tilespmem:$0x18200] =	vst v63  }
0xf4: {  	s15 =	simm.s32 $0x7200  }
0xf5: {  	[tilespmem:s15], [sflag:$0x1] =	stream.indirect_vreg.gather [hbm4b:s6+s3], $0x80, v4, vm0, $0xb8;
	[tilespmem:$0x18200] =	vst v63  }
0xf6: {  	s15 =	simm.s32 $0x7A00  }
0xf7: {  	[tilespmem:s15], [sflag:$0x1] =	stream.indirect_vreg.gather [hbm4b:s2+s3], $0x80, v3, vm0, $0xb8;
	[tilespmem:$0x18200] =	vst v63  }
0xf8: {  	s15 =	simm.s32 $0x8200  }
0xf9: {  	[tilespmem:s15], [sflag:$0x1] =	stream.indirect_vreg.gather [hbm4b:s5+s3], $0x80, v3, vm0, $0xb8;
	[tilespmem:$0x18200] =	vst v63  }
0xfa: {  	s15 =	simm.s32 $0x8A00  }
0xfb: {  	[tilespmem:s15], [sflag:$0x1] =	stream.indirect_vreg.gather [hbm4b:s6+s3], $0x80, v3, vm0, $0xb8;
	[tilespmem:$0x18200] =	vst v63  }
0xfc: {  	v3 =	vld [tilespmem:s13+$0xFFFFFFC0];
	_ =	sdelay $0x4  }
0xfd: {  	v59 =	vshrl.u32 v3, $0x3  }
0xfe: {  	v4 =	vmul.u32 $0x30, v59  }
0xff: {  	v3 =	vand.u32 $0x7, v3  }
0x100: {  	v3 =	vor.u32 v3, v4  }
0x101: {  	v4 =	vperm.xlane v3, v0;
	_ =	sdelay $0x1  }
0x102: {  	v4 =	vadd.s32 v1, v4;
	_ =	sdelay $0x3  }
0x103: {  	s15 =	simm.s32 $0x9200;
	v3 =	vperm.xlane v3, v2  }
0x104: {  	[tilespmem:s15], [sflag:$0x1] =	stream.indirect_vreg.gather [hbm4b:s2+s3], $0x80, v4, vm0, $0xb8;
	[tilespmem:$0x18200] =	vst v63  }
0x105: {  	v3 =	vadd.s32 v1, v3;
	s15 =	simm.s32 $0x9A00  }
0x106: {  	[tilespmem:s15], [sflag:$0x1] =	stream.indirect_vreg.gather [hbm4b:s5+s3], $0x80, v4, vm0, $0xb8;
	[tilespmem:$0x18200] =	vst v63  }
0x107: {  	s15 =	simm.s32 $0xA200  }
0x108: {  	[tilespmem:s15], [sflag:$0x1] =	stream.indirect_vreg.gather [hbm4b:s6+s3], $0x80, v4, vm0, $0xb8;
	[tilespmem:$0x18200] =	vst v63  }
0x109: {  	s15 =	simm.s32 $0xAA00  }
0x10a: {  	[tilespmem:s15], [sflag:$0x1] =	stream.indirect_vreg.gather [hbm4b:s2+s3], $0x80, v3, vm0, $0xb8;
	[tilespmem:$0x18200] =	vst v63  }
0x10b: {  	s15 =	simm.s32 $0xB200  }
0x10c: {  	[tilespmem:s15], [sflag:$0x1] =	stream.indirect_vreg.gather [hbm4b:s5+s3], $0x80, v3, vm0, $0xb8;
	[tilespmem:$0x18200] =	vst v63  }
0x10d: {  	s15 =	simm.s32 $0xBA00  }
0x10e: {  	[tilespmem:s15], [sflag:$0x1] =	stream.indirect_vreg.gather [hbm4b:s6+s3], $0x80, v3, vm0, $0xb8;
	[tilespmem:$0x18200] =	vst v63  }
0x10f: {  	_ =	swait.ge [sflag:s12], $0xC000  }
0x110: {  	[sflag:s12] =	ssyncset.done $0x0  }
0x111: {  	[sflag:s12] =	ssyncadd.s32 $0xFFFF4000  }
0x112: {  	v3 =	vld [tilespmem:s13+$0xFFFFFFD0];
	_ =	sdelay $0x4  }
0x113: {  	v60 =	vshrl.u32 v3, $0x3  }
0x114: {  	v4 =	vmul.u32 $0x30, v60  }
0x115: {  	v3 =	vand.u32 $0x7, v3  }
0x116: {  	v3 =	vor.u32 v3, v4  }
0x117: {  	v4 =	vperm.xlane v3, v0;
	_ =	sdelay $0x1  }
0x118: {  	v4 =	vadd.s32 v1, v4;
	_ =	sdelay $0x3  }
0x119: {  	v3 =	vperm.xlane v3, v2  }
0x11a: {  	[tilespmem:s7], [sflag:$0x2] =	stream.indirect_vreg.gather [hbm4b:s2+s3], $0x80, v4, vm0, $0xb8;
	[tilespmem:$0x18200] =	vst v63  }
0x11b: {  	s15 =	simm.s32 $0xCA00;
	v3 =	vadd.s32 v1, v3  }
0x11c: {  	[tilespmem:s15], [sflag:$0x2] =	stream.indirect_vreg.gather [hbm4b:s5+s3], $0x80, v4, vm0, $0xb8;
	[tilespmem:$0x18200] =	vst v63  }
0x11d: {  	s15 =	simm.s32 $0xD200  }
0x11e: {  	[tilespmem:s15], [sflag:$0x2] =	stream.indirect_vreg.gather [hbm4b:s6+s3], $0x80, v4, vm0, $0xb8;
	[tilespmem:$0x18200] =	vst v63  }
0x11f: {  	s15 =	simm.s32 $0xDA00  }
0x120: {  	[tilespmem:s15], [sflag:$0x2] =	stream.indirect_vreg.gather [hbm4b:s2+s3], $0x80, v3, vm0, $0xb8;
	[tilespmem:$0x18200] =	vst v63  }
0x121: {  	s15 =	simm.s32 $0xE200  }
0x122: {  	[tilespmem:s15], [sflag:$0x2] =	stream.indirect_vreg.gather [hbm4b:s5+s3], $0x80, v3, vm0, $0xb8;
	[tilespmem:$0x18200] =	vst v63  }
0x123: {  	s15 =	simm.s32 $0xEA00  }
0x124: {  	[tilespmem:s15], [sflag:$0x2] =	stream.indirect_vreg.gather [hbm4b:s6+s3], $0x80, v3, vm0, $0xb8;
	[tilespmem:$0x18200] =	vst v63  }
0x125: {  	v3 =	vld [tilespmem:s13+$0xFFFFFFE0];
	_ =	sdelay $0x4  }
0x126: {  	v61 =	vshrl.u32 v3, $0x3  }
0x127: {  	v4 =	vmul.u32 $0x30, v61  }
0x128: {  	v3 =	vand.u32 $0x7, v3  }
0x129: {  	v3 =	vor.u32 v3, v4  }
0x12a: {  	v4 =	vperm.xlane v3, v0;
	_ =	sdelay $0x1  }
0x12b: {  	v4 =	vadd.s32 v1, v4;
	_ =	sdelay $0x3  }
0x12c: {  	s15 =	simm.s32 $0xF200;
	v3 =	vperm.xlane v3, v2  }
0x12d: {  	[tilespmem:s15], [sflag:$0x2] =	stream.indirect_vreg.gather [hbm4b:s2+s3], $0x80, v4, vm0, $0xb8;
	[tilespmem:$0x18200] =	vst v63  }
0x12e: {  	v3 =	vadd.s32 v1, v3  }
0x12f: {  	[tilespmem:s16], [sflag:$0x2] =	stream.indirect_vreg.gather [hbm4b:s5+s3], $0x80, v4, vm0, $0xb8;
	[tilespmem:$0x18200] =	vst v63  }
0x130: {  	_ = 	snop  }
0x131: {  	[tilespmem:s17], [sflag:$0x2] =	stream.indirect_vreg.gather [hbm4b:s6+s3], $0x80, v4, vm0, $0xb8;
	[tilespmem:$0x18200] =	vst v63  }
0x132: {  	_ = 	snop  }
0x133: {  	[tilespmem:s18], [sflag:$0x2] =	stream.indirect_vreg.gather [hbm4b:s2+s3], $0x80, v3, vm0, $0xb8;
	[tilespmem:$0x18200] =	vst v63  }
0x134: {  	_ = 	snop  }
0x135: {  	[tilespmem:s19], [sflag:$0x2] =	stream.indirect_vreg.gather [hbm4b:s5+s3], $0x80, v3, vm0, $0xb8;
	[tilespmem:$0x18200] =	vst v63  }
0x136: {  	_ = 	snop  }
0x137: {  	[tilespmem:s20], [sflag:$0x2] =	stream.indirect_vreg.gather [hbm4b:s6+s3], $0x80, v3, vm0, $0xb8;
	[tilespmem:$0x18200] =	vst v63  }
0x138: {  	v3 =	vld [tilespmem:s13+$0xFFFFFFF0];
	_ =	sdelay $0x4  }
0x139: {  	v62 =	vshrl.u32 v3, $0x3  }
0x13a: {  	v4 =	vmul.u32 $0x30, v62  }
0x13b: {  	v3 =	vand.u32 $0x7, v3  }
0x13c: {  	v3 =	vor.u32 v3, v4  }
0x13d: {  	v4 =	vperm.xlane v3, v0;
	_ =	sdelay $0x1  }
0x13e: {  	v4 =	vadd.s32 v1, v4;
	_ =	sdelay $0x3  }
0x13f: {  	v3 =	vperm.xlane v3, v2  }
0x140: {  	[tilespmem:s21], [sflag:$0x2] =	stream.indirect_vreg.gather [hbm4b:s2+s3], $0x80, v4, vm0, $0xb8;
	[tilespmem:$0x18200] =	vst v63  }
0x141: {  	v3 =	vadd.s32 v1, v3  }
0x142: {  	[tilespmem:s22], [sflag:$0x2] =	stream.indirect_vreg.gather [hbm4b:s5+s3], $0x80, v4, vm0, $0xb8;
	[tilespmem:$0x18200] =	vst v63  }
0x143: {  	_ = 	snop  }
0x144: {  	[tilespmem:s23], [sflag:$0x2] =	stream.indirect_vreg.gather [hbm4b:s6+s3], $0x80, v4, vm0, $0xb8;
	[tilespmem:$0x18200] =	vst v63  }
0x145: {  	_ = 	snop  }
0x146: {  	[tilespmem:s24], [sflag:$0x2] =	stream.indirect_vreg.gather [hbm4b:s2+s3], $0x80, v3, vm0, $0xb8;
	[tilespmem:$0x18200] =	vst v63  }
0x147: {  	_ = 	snop  }
0x148: {  	[tilespmem:s25], [sflag:$0x2] =	stream.indirect_vreg.gather [hbm4b:s5+s3], $0x80, v3, vm0, $0xb8;
	[tilespmem:$0x18200] =	vst v63  }
0x149: {  	_ = 	snop  }
0x14a: {  	[tilespmem:s26], [sflag:$0x2] =	stream.indirect_vreg.gather [hbm4b:s6+s3], $0x80, v3, vm0, $0xb8;
	[tilespmem:$0x18200] =	vst v63  }
0x14b: {  	v3 =	vld [tilespmem:s13+$0x0];
	_ =	sdelay $0x4  }
0x14c: {  	v63 =	vshrl.u32 v3, $0x3  }
0x14d: {  	v4 =	vmul.u32 $0x30, v63  }
0x14e: {  	v3 =	vand.u32 $0x7, v3  }
0x14f: {  	v3 =	vor.u32 v3, v4  }
0x150: {  	v4 =	vperm.xlane v3, v0;
	_ =	sdelay $0x1  }
0x151: {  	v4 =	vadd.s32 v1, v4;
	_ =	sdelay $0x3  }
0x152: {  	v3 =	vperm.xlane v3, v2  }
0x153: {  	[tilespmem:s28], [sflag:$0x2] =	stream.indirect_vreg.gather [hbm4b:s2+s3], $0x80, v4, vm0, $0xb8;
	[tilespmem:$0x18200] =	vst v63  }
0x154: {  	v3 =	vadd.s32 v1, v3  }
0x155: {  	[tilespmem:s29], [sflag:$0x2] =	stream.indirect_vreg.gather [hbm4b:s5+s3], $0x80, v4, vm0, $0xb8;
	[tilespmem:$0x18200] =	vst v63  }
0x156: {  	_ = 	snop  }
0x157: {  	[tilespmem:s30], [sflag:$0x2] =	stream.indirect_vreg.gather [hbm4b:s6+s3], $0x80, v4, vm0, $0xb8;
	[tilespmem:$0x18200] =	vst v63  }
0x158: {  	_ = 	snop  }
0x159: {  	[tilespmem:s31], [sflag:$0x2] =	stream.indirect_vreg.gather [hbm4b:s2+s3], $0x80, v3, vm0, $0xb8;
	[tilespmem:$0x18200] =	vst v63  }
.Ltmp3:
0x15a: {  	_ = 	snop;
	(pc) =	sbr.rel .LBB2_2-.Ltmp3, $4  }
0x15b: {  	_ = 	snop  }
0x15c: {  	[tilespmem:s1], [sflag:$0x2] =	stream.indirect_vreg.gather [hbm4b:s5+s3], $0x80, v3, vm0, $0xb8;
	[tilespmem:$0x18200] =	vst v63  }
0x15d: {  	s14 =	sadd.s32 $0x3000, s14;
	s13 =	sadd.s32 $0x80, s13  }
0x15e: {  	[tilespmem:s0], [sflag:$0x2] =	stream.indirect_vreg.gather [hbm4b:s6+s3], $0x80, v3, vm0, $0xb8;
	[tilespmem:$0x18200] =	vst v63  }
.LBB2_5:
0x15f: {  	_ =	sfence.sel $0x180000  }
0x160: {  	[bflag:$0x0] =	sbarrier.arrive $0xFFFF  }
0x161: {  	_ =	strace $0x90000047  }
0x162: {  	s0 =	stileid.u32;
	[bflag:$0x2] =	sbarrier.arrive $0xFFFF  }
0x163: {  	p0 =	sne.s32 s0, $0x0;
	s0 =	rddreg [dreg:$0x2]  }
0x164: {  	s0 =	sadd.s32 @!p0 $0x100000, s0  }
0x165: {  	[sflag:s0] =	ssyncadd.tile.s32 @!p0 $0x1;
	_ =	shalt  }
.Lfunc_end2:
_tile_overlayer_lowered:
.L_overlay_start_2:
0x166: {  	(tag) =	ssettag $0x2  }
0x167: {  	s0 =	rddreg [dreg:$0x0];
	s2 =	stileid.u32  }
0x168: {  	s1 =	rddreg [dreg:$0x1];
	p0 =	sne.s32 s2, $0x0  }
0x169: {  	s3 =	rddreg [dreg:$0x2];
	[bflag:$0x3] =	sbarrier.arrive $0xFFFF;
	s2 =	simm.s32 @!p0 $0x1C05  }
0x16a: {  	[timem:s3], [sflag:s2] =	dma.local @!p0 [hbm:s0], s1  }
0x16b: {  	s0 =	simm.s32 @!p0 $0x5  }
0x16c: {  	_ =	swait.ge @!p0 [sflag:s0], s1  }
0x16d: {  	s1 =	ssub.s32 @!p0 $0x0, s1;
	[sflag:s0] =	ssyncset.done @!p0 $0x0  }
0x16e: {  	[sflag:s0] =	ssyncadd.s32 @!p0 s1  }
0x16f: {  	[bflag:$0x3] =	sbarrier.arrive $0xFFFF  }
0x170: {  	_ =	shalt  }

</sc_bundles>
